<compile_context>
chip_gen: v7x
topology: tpu7x:2x2x1
jax: 0.10.2.dev20260603
libtpu: 0.0.44.dev20260713+nightly
codegen_flags: <defaults>
</compile_context>

<pallas_src>
import functools

import jax
import jax.numpy as jnp
from jax import lax
from jax.experimental import pallas as pl
from jax.experimental.pallas import tpu as pltpu
from jax.experimental.pallas import tpu_sc as plsc

LATENT_DIM = 128
BATCH = 16384
NC = 2
NS = 16
NW = NC * NS
B_PER_W = BATCH // NW
CHUNK = 128
NCHUNK = B_PER_W // CHUNK
NTASK = 2 * NCHUNK
NB = 7


def _sc_gather_body(sidx_hbm, eidx_hbm, s_emb, d_emb, disc_flat,
                    out_s, out_d, out_disc, *scratch):
    sidx_v, eidx_v = scratch[0], scratch[1]
    bufs = list(scratch[2:2 + NB])
    disc_v = scratch[2 + NB]
    gs = list(scratch[3 + NB:3 + 2 * NB])
    ws = list(scratch[3 + 2 * NB:3 + 3 * NB])
    dsem = scratch[3 + 3 * NB]

    wid = lax.axis_index("s") * NC + lax.axis_index("c")
    ibase = wid * NCHUNK
    obase = wid * B_PER_W
    iops = []
    for j in range(NCHUNK):
        iops.append(pltpu.async_copy(
            sidx_hbm.at[pl.ds(obase + j * CHUNK, CHUNK)], sidx_v.at[j], dsem))
        iops.append(pltpu.async_copy(
            eidx_hbm.at[pl.ds(obase + j * CHUNK, CHUNK)], eidx_v.at[j], dsem))
    for op in iops:
        op.wait()

    def task(i):
        if i < NCHUNK:
            return s_emb, sidx_v.at[i], out_s, obase + i * CHUNK
        j = i - NCHUNK
        return d_emb, eidx_v.at[j], out_d, obase + j * CHUNK

    gops = [None] * NTASK
    wops = [None] * NTASK
    for i in range(NB):
        tbl, idx, _, _ = task(i)
        gops[i] = pltpu.async_copy(tbl.at[idx], bufs[i], gs[i])

    dcops = [pltpu.async_copy(disc_flat.at[eidx_v.at[j]], disc_v.at[j], dsem)
             for j in range(NCHUNK)]
    for i in range(NTASK):
        b = i % NB
        gops[i].wait()
        _, _, out, row = task(i)
        wops[i] = pltpu.async_copy(bufs[b], out.at[pl.ds(row, CHUNK)], ws[b])
        nxt = i + NB
        if nxt < NTASK:
            wops[i].wait()
            tbl, idx, _, _ = task(nxt)
            gops[nxt] = pltpu.async_copy(tbl.at[idx], bufs[b], gs[b])
    for j in range(NCHUNK):
        dcops[j].wait()
    pltpu.sync_copy(disc_v, out_disc.at[pl.ds(ibase, NCHUNK)])
    for i in range(NTASK):
        if i + NB >= NTASK:
            wops[i].wait()


@jax.jit
def _sc_gather(sidx, eidx, student_emb, diff_emb, disc_flat):
    mesh = plsc.VectorSubcoreMesh(core_axis_name="c", subcore_axis_name="s")
    scratch = (
        [pltpu.VMEM((NCHUNK, CHUNK), jnp.int32),
         pltpu.VMEM((NCHUNK, CHUNK), jnp.int32)]
        + [pltpu.VMEM((CHUNK, LATENT_DIM), jnp.float32) for _ in range(NB)]
        + [pltpu.VMEM((NCHUNK, CHUNK), jnp.float32)]
        + [pltpu.SemaphoreType.DMA for _ in range(2 * NB + 1)]
    )
    f = functools.partial(
        pl.kernel,
        mesh=mesh,
        out_type=[
            jax.ShapeDtypeStruct((BATCH, LATENT_DIM), jnp.float32),
            jax.ShapeDtypeStruct((BATCH, LATENT_DIM), jnp.float32),
            jax.ShapeDtypeStruct((BATCH // CHUNK, CHUNK), jnp.float32),
        ],
        scratch_types=scratch,
    )(_sc_gather_body)
    return f(sidx, eidx, student_emb, diff_emb, disc_flat)


def kernel(student_id, exercise_id, q_mask, student_emb, knowledge_emb,
           diff_emb, disc_emb):
    student_ts, diff_ts, disc2d = _sc_gather(
        student_id.astype(jnp.int32), exercise_id.astype(jnp.int32),
        student_emb, diff_emb, disc_emb.reshape(-1))
    return (student_ts, diff_ts, disc2d.reshape(BATCH, 1), knowledge_emb)

# --- scband reference (transcript-rebuilt; emitter-appended) ---
"""Pipeline reference for scband-default-30872224923921 (READ-ONLY COPY).

The authoritative reference and input builder live on the scoring server;
editing this copy changes nothing except your own understanding.
"""

import jax, jax.numpy as jnp
import numpy as np

STUDENT_NUM = 1000000
EXERCISE_NUM = 100000
KNOWLEDGE_NUM = 128
LATENT_DIM = 128
BATCH = 16384


def setup_inputs(seed: int = 0) -> dict:
    key = jax.random.key(seed)
    k1, k2, k3, k4, k5, k6 = jax.random.split(key, 6)
    student_id = jax.random.randint(k1, (BATCH,), 0, STUDENT_NUM, dtype=jnp.int64 if jax.config.jax_enable_x64 else jnp.int32)
    exercise_id = jax.random.randint(k2, (BATCH,), 0, EXERCISE_NUM, dtype=jnp.int64 if jax.config.jax_enable_x64 else jnp.int32)
    q_mask = jnp.ones((BATCH, KNOWLEDGE_NUM), dtype=jnp.float32)
    # Learned parameters (xavier-normal-like init)
    def xavier(k, shape):
        fan_in, fan_out = shape[1], shape[0]
        std = (2.0 / (fan_in + fan_out)) ** 0.5
        return jax.random.normal(k, shape, dtype=jnp.float32) * std
    student_emb = xavier(k3, (STUDENT_NUM, LATENT_DIM))
    knowledge_emb = xavier(k4, (KNOWLEDGE_NUM, LATENT_DIM))
    diff_emb = xavier(k5, (EXERCISE_NUM, LATENT_DIM))
    disc_emb = xavier(k6, (EXERCISE_NUM, 1))
    return {
        "student_id": student_id,
        "exercise_id": exercise_id,
        "q_mask": q_mask,
        "student_emb": student_emb,
        "knowledge_emb": knowledge_emb,
        "diff_emb": diff_emb,
        "disc_emb": disc_emb,
    }


def reference(student_id, exercise_id, q_mask, student_emb, knowledge_emb, diff_emb, disc_emb):
    # Faithful translation of Default.extract
    student_ts = jnp.take(student_emb, student_id, axis=0)
    diff_ts = jnp.take(diff_emb, exercise_id, axis=0)
    disc_ts = jnp.take(disc_emb, exercise_id, axis=0)
    knowledge_ts = knowledge_emb
    return (student_ts, diff_ts, disc_ts, knowledge_ts)

if __name__ == "__main__":
    import jax
    _d = setup_inputs()
    print(jax.jit(kernel)(*tuple(_d.values())))

</pallas_src>

<mosaic_0001>
#map = affine_map<(d0, d1) -> (0)>
#map1 = affine_map<(d0, d1) -> (0, 0)>
module attributes {stable_mosaic.version = 14 : i64} {
  func.func @_sc_gather_body(%arg0: i32, %arg1: i32, %arg2: memref<16384xi32, #tpu.memory_space<hbm>>, %arg3: memref<16384xi32, #tpu.memory_space<hbm>>, %arg4: memref<1000000x128xf32, #tpu.memory_space<hbm>>, %arg5: memref<100000x128xf32, #tpu.memory_space<hbm>>, %arg6: memref<100000xf32, #tpu.memory_space<hbm>>, %arg7: memref<16384x128xf32, #tpu.memory_space<hbm>>, %arg8: memref<16384x128xf32, #tpu.memory_space<hbm>>, %arg9: memref<128x128xf32, #tpu.memory_space<hbm>>, %arg10: memref<4x128xi32, #tpu.memory_space<vmem>>, %arg11: memref<4x128xi32, #tpu.memory_space<vmem>>, %arg12: memref<128x128xf32, #tpu.memory_space<vmem>>, %arg13: memref<128x128xf32, #tpu.memory_space<vmem>>, %arg14: memref<128x128xf32, #tpu.memory_space<vmem>>, %arg15: memref<128x128xf32, #tpu.memory_space<vmem>>, %arg16: memref<128x128xf32, #tpu.memory_space<vmem>>, %arg17: memref<128x128xf32, #tpu.memory_space<vmem>>, %arg18: memref<128x128xf32, #tpu.memory_space<vmem>>, %arg19: memref<4x128xf32, #tpu.memory_space<vmem>>, %arg20: memref<!tpu.dma_semaphore, #tpu.memory_space<semaphore_mem>>, %arg21: memref<!tpu.dma_semaphore, #tpu.memory_space<semaphore_mem>>, %arg22: memref<!tpu.dma_semaphore, #tpu.memory_space<semaphore_mem>>, %arg23: memref<!tpu.dma_semaphore, #tpu.memory_space<semaphore_mem>>, %arg24: memref<!tpu.dma_semaphore, #tpu.memory_space<semaphore_mem>>, %arg25: memref<!tpu.dma_semaphore, #tpu.memory_space<semaphore_mem>>, %arg26: memref<!tpu.dma_semaphore, #tpu.memory_space<semaphore_mem>>, %arg27: memref<!tpu.dma_semaphore, #tpu.memory_space<semaphore_mem>>, %arg28: memref<!tpu.dma_semaphore, #tpu.memory_space<semaphore_mem>>, %arg29: memref<!tpu.dma_semaphore, #tpu.memory_space<semaphore_mem>>, %arg30: memref<!tpu.dma_semaphore, #tpu.memory_space<semaphore_mem>>, %arg31: memref<!tpu.dma_semaphore, #tpu.memory_space<semaphore_mem>>, %arg32: memref<!tpu.dma_semaphore, #tpu.memory_space<semaphore_mem>>, %arg33: memref<!tpu.dma_semaphore, #tpu.memory_space<semaphore_mem>>, %arg34: memref<!tpu.dma_semaphore, #tpu.memory_space<semaphore_mem>>) attributes {dimension_semantics = [#tpu.dimension_semantics<core_parallel>, #tpu.dimension_semantics<subcore_parallel>], iteration_bounds = array<i64: 2, 16>, scalar_prefetch = 0 : i64, scratch_operands = 25 : i64, tpu.core_type = #tpu.core_type<sc_vector_subcore>, window_params = [{transform_indices = #map}, {transform_indices = #map}, {transform_indices = #map1}, {transform_indices = #map1}, {transform_indices = #map}, {transform_indices = #map1}, {transform_indices = #map1}, {transform_indices = #map1}]} {
    %mul3A = arith.constant 2 : i32
    %mul3A_0 = arith.muli %arg1, %mul3A : i32
    %add3A = arith.addi %mul3A_0, %arg0 : i32
    %mul3A_1 = arith.constant 4 : i32
    %mul3A_2 = arith.muli %add3A, %mul3A_1 : i32
    %mul3A_3 = arith.constant 512 : i32
    %mul3A_4 = arith.muli %add3A, %mul3A_3 : i32
    %add3A_5 = arith.constant 0 : i32
    %add3A_6 = arith.addi %mul3A_4, %add3A_5 : i32
    %dma_start3A = arith.constant 0 : i32
    %dma_start3A_7 = arith.constant 0 : i32
    %dma_start3A_8 = tpu.memref_slice %arg10[%dma_start3A, %dma_start3A_7] : memref<4x128xi32, #tpu.memory_space<vmem>> -> memref<1x128xi32, #tpu.memory_space<vmem>>
    %dma_start3A_9 = tpu.memref_squeeze %dma_start3A_8 : memref<1x128xi32, #tpu.memory_space<vmem>> -> memref<128xi32, #tpu.memory_space<vmem>>
    %dma_start3A_10 = tpu.memref_slice %arg2[%add3A_6] : memref<16384xi32, #tpu.memory_space<hbm>> -> memref<128xi32, #tpu.memory_space<hbm>>
    %dma_start3A_11 = arith.constant 0 : i32
    %dma_start3A_12 = tpu.memref_slice %arg10[%dma_start3A, %dma_start3A_11] : memref<4x128xi32, #tpu.memory_space<vmem>> -> memref<1x128xi32, #tpu.memory_space<vmem>>
    %dma_start3A_13 = tpu.memref_squeeze %dma_start3A_12 : memref<1x128xi32, #tpu.memory_space<vmem>> -> memref<128xi32, #tpu.memory_space<vmem>>
    %dma_start3A_14 = tpu.memref_slice %arg2[%add3A_6] : memref<16384xi32, #tpu.memory_space<hbm>> -> memref<128xi32, #tpu.memory_space<hbm>>
    tpu.enqueue_dma source(%dma_start3A_14 : memref<128xi32, #tpu.memory_space<hbm>>) target(%dma_start3A_13 : memref<128xi32, #tpu.memory_space<vmem>>) target_semaphore(%arg34 : memref<!tpu.dma_semaphore, #tpu.memory_space<semaphore_mem>>)
    %add3A_15 = arith.constant 0 : i32
    %add3A_16 = arith.addi %mul3A_4, %add3A_15 : i32
    %dma_start3A_17 = arith.constant 0 : i32
    %dma_start3A_18 = arith.constant 0 : i32
    %dma_start3A_19 = tpu.memref_slice %arg11[%dma_start3A_17, %dma_start3A_18] : memref<4x128xi32, #tpu.memory_space<vmem>> -> memref<1x128xi32, #tpu.memory_space<vmem>>
    %dma_start3A_20 = tpu.memref_squeeze %dma_start3A_19 : memref<1x128xi32, #tpu.memory_space<vmem>> -> memref<128xi32, #tpu.memory_space<vmem>>
    %dma_start3A_21 = tpu.memref_slice %arg3[%add3A_16] : memref<16384xi32, #tpu.memory_space<hbm>> -> memref<128xi32, #tpu.memory_space<hbm>>
    %dma_start3A_22 = arith.constant 0 : i32
    %dma_start3A_23 = tpu.memref_slice %arg11[%dma_start3A_17, %dma_start3A_22] : memref<4x128xi32, #tpu.memory_space<vmem>> -> memref<1x128xi32, #tpu.memory_space<vmem>>
    %dma_start3A_24 = tpu.memref_squeeze %dma_start3A_23 : memref<1x128xi32, #tpu.memory_space<vmem>> -> memref<128xi32, #tpu.memory_space<vmem>>
    %dma_start3A_25 = tpu.memref_slice %arg3[%add3A_16] : memref<16384xi32, #tpu.memory_space<hbm>> -> memref<128xi32, #tpu.memory_space<hbm>>
    tpu.enqueue_dma source(%dma_start3A_25 : memref<128xi32, #tpu.memory_space<hbm>>) target(%dma_start3A_24 : memref<128xi32, #tpu.memory_space<vmem>>) target_semaphore(%arg34 : memref<!tpu.dma_semaphore, #tpu.memory_space<semaphore_mem>>)
    %add3A_26 = arith.constant 128 : i32
    %add3A_27 = arith.addi %mul3A_4, %add3A_26 : i32
    %dma_start3A_28 = arith.constant 1 : i32
    %dma_start3A_29 = arith.constant 0 : i32
    %dma_start3A_30 = tpu.memref_slice %arg10[%dma_start3A_28, %dma_start3A_29] : memref<4x128xi32, #tpu.memory_space<vmem>> -> memref<1x128xi32, #tpu.memory_space<vmem>>
    %dma_start3A_31 = tpu.memref_squeeze %dma_start3A_30 : memref<1x128xi32, #tpu.memory_space<vmem>> -> memref<128xi32, #tpu.memory_space<vmem>>
    %dma_start3A_32 = tpu.memref_slice %arg2[%add3A_27] : memref<16384xi32, #tpu.memory_space<hbm>> -> memref<128xi32, #tpu.memory_space<hbm>>
    %dma_start3A_33 = arith.constant 0 : i32
    %dma_start3A_34 = tpu.memref_slice %arg10[%dma_start3A_28, %dma_start3A_33] : memref<4x128xi32, #tpu.memory_space<vmem>> -> memref<1x128xi32, #tpu.memory_space<vmem>>
    %dma_start3A_35 = tpu.memref_squeeze %dma_start3A_34 : memref<1x128xi32, #tpu.memory_space<vmem>> -> memref<128xi32, #tpu.memory_space<vmem>>
    %dma_start3A_36 = tpu.memref_slice %arg2[%add3A_27] : memref<16384xi32, #tpu.memory_space<hbm>> -> memref<128xi32, #tpu.memory_space<hbm>>
    tpu.enqueue_dma source(%dma_start3A_36 : memref<128xi32, #tpu.memory_space<hbm>>) target(%dma_start3A_35 : memref<128xi32, #tpu.memory_space<vmem>>) target_semaphore(%arg34 : memref<!tpu.dma_semaphore, #tpu.memory_space<semaphore_mem>>)
    %add3A_37 = arith.constant 128 : i32
    %add3A_38 = arith.addi %mul3A_4, %add3A_37 : i32
    %dma_start3A_39 = arith.constant 1 : i32
    %dma_start3A_40 = arith.constant 0 : i32
    %dma_start3A_41 = tpu.memref_slice %arg11[%dma_start3A_39, %dma_start3A_40] : memref<4x128xi32, #tpu.memory_space<vmem>> -> memref<1x128xi32, #tpu.memory_space<vmem>>
    %dma_start3A_42 = tpu.memref_squeeze %dma_start3A_41 : memref<1x128xi32, #tpu.memory_space<vmem>> -> memref<128xi32, #tpu.memory_space<vmem>>
    %dma_start3A_43 = tpu.memref_slice %arg3[%add3A_38] : memref<16384xi32, #tpu.memory_space<hbm>> -> memref<128xi32, #tpu.memory_space<hbm>>
    %dma_start3A_44 = arith.constant 0 : i32
    %dma_start3A_45 = tpu.memref_slice %arg11[%dma_start3A_39, %dma_start3A_44] : memref<4x128xi32, #tpu.memory_space<vmem>> -> memref<1x128xi32, #tpu.memory_space<vmem>>
    %dma_start3A_46 = tpu.memref_squeeze %dma_start3A_45 : memref<1x128xi32, #tpu.memory_space<vmem>> -> memref<128xi32, #tpu.memory_space<vmem>>
    %dma_start3A_47 = tpu.memref_slice %arg3[%add3A_38] : memref<16384xi32, #tpu.memory_space<hbm>> -> memref<128xi32, #tpu.memory_space<hbm>>
    tpu.enqueue_dma source(%dma_start3A_47 : memref<128xi32, #tpu.memory_space<hbm>>) target(%dma_start3A_46 : memref<128xi32, #tpu.memory_space<vmem>>) target_semaphore(%arg34 : memref<!tpu.dma_semaphore, #tpu.memory_space<semaphore_mem>>)
    %add3A_48 = arith.constant 256 : i32
    %add3A_49 = arith.addi %mul3A_4, %add3A_48 : i32
    %dma_start3A_50 = arith.constant 2 : i32
    %dma_start3A_51 = arith.constant 0 : i32
    %dma_start3A_52 = tpu.memref_slice %arg10[%dma_start3A_50, %dma_start3A_51] : memref<4x128xi32, #tpu.memory_space<vmem>> -> memref<1x128xi32, #tpu.memory_space<vmem>>
    %dma_start3A_53 = tpu.memref_squeeze %dma_start3A_52 : memref<1x128xi32, #tpu.memory_space<vmem>> -> memref<128xi32, #tpu.memory_space<vmem>>
    %dma_start3A_54 = tpu.memref_slice %arg2[%add3A_49] : memref<16384xi32, #tpu.memory_space<hbm>> -> memref<128xi32, #tpu.memory_space<hbm>>
    %dma_start3A_55 = arith.constant 0 : i32
    %dma_start3A_56 = tpu.memref_slice %arg10[%dma_start3A_50, %dma_start3A_55] : memref<4x128xi32, #tpu.memory_space<vmem>> -> memref<1x128xi32, #tpu.memory_space<vmem>>
    %dma_start3A_57 = tpu.memref_squeeze %dma_start3A_56 : memref<1x128xi32, #tpu.memory_space<vmem>> -> memref<128xi32, #tpu.memory_space<vmem>>
    %dma_start3A_58 = tpu.memref_slice %arg2[%add3A_49] : memref<16384xi32, #tpu.memory_space<hbm>> -> memref<128xi32, #tpu.memory_space<hbm>>
    tpu.enqueue_dma source(%dma_start3A_58 : memref<128xi32, #tpu.memory_space<hbm>>) target(%dma_start3A_57 : memref<128xi32, #tpu.memory_space<vmem>>) target_semaphore(%arg34 : memref<!tpu.dma_semaphore, #tpu.memory_space<semaphore_mem>>)
    %add3A_59 = arith.constant 256 : i32
    %add3A_60 = arith.addi %mul3A_4, %add3A_59 : i32
    %dma_start3A_61 = arith.constant 2 : i32
    %dma_start3A_62 = arith.constant 0 : i32
    %dma_start3A_63 = tpu.memref_slice %arg11[%dma_start3A_61, %dma_start3A_62] : memref<4x128xi32, #tpu.memory_space<vmem>> -> memref<1x128xi32, #tpu.memory_space<vmem>>
    %dma_start3A_64 = tpu.memref_squeeze %dma_start3A_63 : memref<1x128xi32, #tpu.memory_space<vmem>> -> memref<128xi32, #tpu.memory_space<vmem>>
    %dma_start3A_65 = tpu.memref_slice %arg3[%add3A_60] : memref<16384xi32, #tpu.memory_space<hbm>> -> memref<128xi32, #tpu.memory_space<hbm>>
    %dma_start3A_66 = arith.constant 0 : i32
    %dma_start3A_67 = tpu.memref_slice %arg11[%dma_start3A_61, %dma_start3A_66] : memref<4x128xi32, #tpu.memory_space<vmem>> -> memref<1x128xi32, #tpu.memory_space<vmem>>
    %dma_start3A_68 = tpu.memref_squeeze %dma_start3A_67 : memref<1x128xi32, #tpu.memory_space<vmem>> -> memref<128xi32, #tpu.memory_space<vmem>>
    %dma_start3A_69 = tpu.memref_slice %arg3[%add3A_60] : memref<16384xi32, #tpu.memory_space<hbm>> -> memref<128xi32, #tpu.memory_space<hbm>>
    tpu.enqueue_dma source(%dma_start3A_69 : memref<128xi32, #tpu.memory_space<hbm>>) target(%dma_start3A_68 : memref<128xi32, #tpu.memory_space<vmem>>) target_semaphore(%arg34 : memref<!tpu.dma_semaphore, #tpu.memory_space<semaphore_mem>>)
    %add3A_70 = arith.constant 384 : i32
    %add3A_71 = arith.addi %mul3A_4, %add3A_70 : i32
    %dma_start3A_72 = arith.constant 3 : i32
    %dma_start3A_73 = arith.constant 0 : i32
    %dma_start3A_74 = tpu.memref_slice %arg10[%dma_start3A_72, %dma_start3A_73] : memref<4x128xi32, #tpu.memory_space<vmem>> -> memref<1x128xi32, #tpu.memory_space<vmem>>
    %dma_start3A_75 = tpu.memref_squeeze %dma_start3A_74 : memref<1x128xi32, #tpu.memory_space<vmem>> -> memref<128xi32, #tpu.memory_space<vmem>>
    %dma_start3A_76 = tpu.memref_slice %arg2[%add3A_71] : memref<16384xi32, #tpu.memory_space<hbm>> -> memref<128xi32, #tpu.memory_space<hbm>>
    %dma_start3A_77 = arith.constant 0 : i32
    %dma_start3A_78 = tpu.memref_slice %arg10[%dma_start3A_72, %dma_start3A_77] : memref<4x128xi32, #tpu.memory_space<vmem>> -> memref<1x128xi32, #tpu.memory_space<vmem>>
    %dma_start3A_79 = tpu.memref_squeeze %dma_start3A_78 : memref<1x128xi32, #tpu.memory_space<vmem>> -> memref<128xi32, #tpu.memory_space<vmem>>
    %dma_start3A_80 = tpu.memref_slice %arg2[%add3A_71] : memref<16384xi32, #tpu.memory_space<hbm>> -> memref<128xi32, #tpu.memory_space<hbm>>
    tpu.enqueue_dma source(%dma_start3A_80 : memref<128xi32, #tpu.memory_space<hbm>>) target(%dma_start3A_79 : memref<128xi32, #tpu.memory_space<vmem>>) target_semaphore(%arg34 : memref<!tpu.dma_semaphore, #tpu.memory_space<semaphore_mem>>)
    %add3A_81 = arith.constant 384 : i32
    %add3A_82 = arith.addi %mul3A_4, %add3A_81 : i32
    %dma_start3A_83 = arith.constant 3 : i32
    %dma_start3A_84 = arith.constant 0 : i32
    %dma_start3A_85 = tpu.memref_slice %arg11[%dma_start3A_83, %dma_start3A_84] : memref<4x128xi32, #tpu.memory_space<vmem>> -> memref<1x128xi32, #tpu.memory_space<vmem>>
    %dma_start3A_86 = tpu.memref_squeeze %dma_start3A_85 : memref<1x128xi32, #tpu.memory_space<vmem>> -> memref<128xi32, #tpu.memory_space<vmem>>
    %dma_start3A_87 = tpu.memref_slice %arg3[%add3A_82] : memref<16384xi32, #tpu.memory_space<hbm>> -> memref<128xi32, #tpu.memory_space<hbm>>
    %dma_start3A_88 = arith.constant 0 : i32
    %dma_start3A_89 = tpu.memref_slice %arg11[%dma_start3A_83, %dma_start3A_88] : memref<4x128xi32, #tpu.memory_space<vmem>> -> memref<1x128xi32, #tpu.memory_space<vmem>>
    %dma_start3A_90 = tpu.memref_squeeze %dma_start3A_89 : memref<1x128xi32, #tpu.memory_space<vmem>> -> memref<128xi32, #tpu.memory_space<vmem>>
    %dma_start3A_91 = tpu.memref_slice %arg3[%add3A_82] : memref<16384xi32, #tpu.memory_space<hbm>> -> memref<128xi32, #tpu.memory_space<hbm>>
    tpu.enqueue_dma source(%dma_start3A_91 : memref<128xi32, #tpu.memory_space<hbm>>) target(%dma_start3A_90 : memref<128xi32, #tpu.memory_space<vmem>>) target_semaphore(%arg34 : memref<!tpu.dma_semaphore, #tpu.memory_space<semaphore_mem>>)
    %dma_wait3A = arith.constant 0 : i32
    %dma_wait3A_92 = arith.constant 0 : i32
    %dma_wait3A_93 = tpu.memref_slice %arg10[%dma_wait3A, %dma_wait3A_92] : memref<4x128xi32, #tpu.memory_space<vmem>> -> memref<1x128xi32, #tpu.memory_space<vmem>>
    %dma_wait3A_94 = tpu.memref_squeeze %dma_wait3A_93 : memref<1x128xi32, #tpu.memory_space<vmem>> -> memref<128xi32, #tpu.memory_space<vmem>>
    %dma_wait3A_95 = tpu.memref_slice %arg2[%add3A_6] : memref<16384xi32, #tpu.memory_space<hbm>> -> memref<128xi32, #tpu.memory_space<hbm>>
    %dma_wait3A_96 = arith.constant 0 : i32
    %dma_wait3A_97 = tpu.memref_slice %arg10[%dma_wait3A, %dma_wait3A_96] : memref<4x128xi32, #tpu.memory_space<vmem>> -> memref<1x128xi32, #tpu.memory_space<vmem>>
    %dma_wait3A_98 = tpu.memref_squeeze %dma_wait3A_97 : memref<1x128xi32, #tpu.memory_space<vmem>> -> memref<128xi32, #tpu.memory_space<vmem>>
    %dma_wait3A_99 = tpu.memref_slice %arg2[%add3A_6] : memref<16384xi32, #tpu.memory_space<hbm>> -> memref<128xi32, #tpu.memory_space<hbm>>
    tpu.wait_dma2 semaphore(%arg34 : memref<!tpu.dma_semaphore, #tpu.memory_space<semaphore_mem>>) src(%dma_wait3A_99 : memref<128xi32, #tpu.memory_space<hbm>>) dst(%dma_wait3A_98 : memref<128xi32, #tpu.memory_space<vmem>>)
    %dma_wait3A_100 = arith.constant 0 : i32
    %dma_wait3A_101 = arith.constant 0 : i32
    %dma_wait3A_102 = tpu.memref_slice %arg11[%dma_wait3A_100, %dma_wait3A_101] : memref<4x128xi32, #tpu.memory_space<vmem>> -> memref<1x128xi32, #tpu.memory_space<vmem>>
    %dma_wait3A_103 = tpu.memref_squeeze %dma_wait3A_102 : memref<1x128xi32, #tpu.memory_space<vmem>> -> memref<128xi32, #tpu.memory_space<vmem>>
    %dma_wait3A_104 = tpu.memref_slice %arg3[%add3A_16] : memref<16384xi32, #tpu.memory_space<hbm>> -> memref<128xi32, #tpu.memory_space<hbm>>
    %dma_wait3A_105 = arith.constant 0 : i32
    %dma_wait3A_106 = tpu.memref_slice %arg11[%dma_wait3A_100, %dma_wait3A_105] : memref<4x128xi32, #tpu.memory_space<vmem>> -> memref<1x128xi32, #tpu.memory_space<vmem>>
    %dma_wait3A_107 = tpu.memref_squeeze %dma_wait3A_106 : memref<1x128xi32, #tpu.memory_space<vmem>> -> memref<128xi32, #tpu.memory_space<vmem>>
    %dma_wait3A_108 = tpu.memref_slice %arg3[%add3A_16] : memref<16384xi32, #tpu.memory_space<hbm>> -> memref<128xi32, #tpu.memory_space<hbm>>
    tpu.wait_dma2 semaphore(%arg34 : memref<!tpu.dma_semaphore, #tpu.memory_space<semaphore_mem>>) src(%dma_wait3A_108 : memref<128xi32, #tpu.memory_space<hbm>>) dst(%dma_wait3A_107 : memref<128xi32, #tpu.memory_space<vmem>>)
    %dma_wait3A_109 = arith.constant 1 : i32
    %dma_wait3A_110 = arith.constant 0 : i32
    %dma_wait3A_111 = tpu.memref_slice %arg10[%dma_wait3A_109, %dma_wait3A_110] : memref<4x128xi32, #tpu.memory_space<vmem>> -> memref<1x128xi32, #tpu.memory_space<vmem>>
    %dma_wait3A_112 = tpu.memref_squeeze %dma_wait3A_111 : memref<1x128xi32, #tpu.memory_space<vmem>> -> memref<128xi32, #tpu.memory_space<vmem>>
    %dma_wait3A_113 = tpu.memref_slice %arg2[%add3A_27] : memref<16384xi32, #tpu.memory_space<hbm>> -> memref<128xi32, #tpu.memory_space<hbm>>
    %dma_wait3A_114 = arith.constant 0 : i32
    %dma_wait3A_115 = tpu.memref_slice %arg10[%dma_wait3A_109, %dma_wait3A_114] : memref<4x128xi32, #tpu.memory_space<vmem>> -> memref<1x128xi32, #tpu.memory_space<vmem>>
    %dma_wait3A_116 = tpu.memref_squeeze %dma_wait3A_115 : memref<1x128xi32, #tpu.memory_space<vmem>> -> memref<128xi32, #tpu.memory_space<vmem>>
    %dma_wait3A_117 = tpu.memref_slice %arg2[%add3A_27] : memref<16384xi32, #tpu.memory_space<hbm>> -> memref<128xi32, #tpu.memory_space<hbm>>
    tpu.wait_dma2 semaphore(%arg34 : memref<!tpu.dma_semaphore, #tpu.memory_space<semaphore_mem>>) src(%dma_wait3A_117 : memref<128xi32, #tpu.memory_space<hbm>>) dst(%dma_wait3A_116 : memref<128xi32, #tpu.memory_space<vmem>>)
    %dma_wait3A_118 = arith.constant 1 : i32
    %dma_wait3A_119 = arith.constant 0 : i32
    %dma_wait3A_120 = tpu.memref_slice %arg11[%dma_wait3A_118, %dma_wait3A_119] : memref<4x128xi32, #tpu.memory_space<vmem>> -> memref<1x128xi32, #tpu.memory_space<vmem>>
    %dma_wait3A_121 = tpu.memref_squeeze %dma_wait3A_120 : memref<1x128xi32, #tpu.memory_space<vmem>> -> memref<128xi32, #tpu.memory_space<vmem>>
    %dma_wait3A_122 = tpu.memref_slice %arg3[%add3A_38] : memref<16384xi32, #tpu.memory_space<hbm>> -> memref<128xi32, #tpu.memory_space<hbm>>
    %dma_wait3A_123 = arith.constant 0 : i32
    %dma_wait3A_124 = tpu.memref_slice %arg11[%dma_wait3A_118, %dma_wait3A_123] : memref<4x128xi32, #tpu.memory_space<vmem>> -> memref<1x128xi32, #tpu.memory_space<vmem>>
    %dma_wait3A_125 = tpu.memref_squeeze %dma_wait3A_124 : memref<1x128xi32, #tpu.memory_space<vmem>> -> memref<128xi32, #tpu.memory_space<vmem>>
    %dma_wait3A_126 = tpu.memref_slice %arg3[%add3A_38] : memref<16384xi32, #tpu.memory_space<hbm>> -> memref<128xi32, #tpu.memory_space<hbm>>
    tpu.wait_dma2 semaphore(%arg34 : memref<!tpu.dma_semaphore, #tpu.memory_space<semaphore_mem>>) src(%dma_wait3A_126 : memref<128xi32, #tpu.memory_space<hbm>>) dst(%dma_wait3A_125 : memref<128xi32, #tpu.memory_space<vmem>>)
    %dma_wait3A_127 = arith.constant 2 : i32
    %dma_wait3A_128 = arith.constant 0 : i32
    %dma_wait3A_129 = tpu.memref_slice %arg10[%dma_wait3A_127, %dma_wait3A_128] : memref<4x128xi32, #tpu.memory_space<vmem>> -> memref<1x128xi32, #tpu.memory_space<vmem>>
    %dma_wait3A_130 = tpu.memref_squeeze %dma_wait3A_129 : memref<1x128xi32, #tpu.memory_space<vmem>> -> memref<128xi32, #tpu.memory_space<vmem>>
    %dma_wait3A_131 = tpu.memref_slice %arg2[%add3A_49] : memref<16384xi32, #tpu.memory_space<hbm>> -> memref<128xi32, #tpu.memory_space<hbm>>
    %dma_wait3A_132 = arith.constant 0 : i32
    %dma_wait3A_133 = tpu.memref_slice %arg10[%dma_wait3A_127, %dma_wait3A_132] : memref<4x128xi32, #tpu.memory_space<vmem>> -> memref<1x128xi32, #tpu.memory_space<vmem>>
    %dma_wait3A_134 = tpu.memref_squeeze %dma_wait3A_133 : memref<1x128xi32, #tpu.memory_space<vmem>> -> memref<128xi32, #tpu.memory_space<vmem>>
    %dma_wait3A_135 = tpu.memref_slice %arg2[%add3A_49] : memref<16384xi32, #tpu.memory_space<hbm>> -> memref<128xi32, #tpu.memory_space<hbm>>
    tpu.wait_dma2 semaphore(%arg34 : memref<!tpu.dma_semaphore, #tpu.memory_space<semaphore_mem>>) src(%dma_wait3A_135 : memref<128xi32, #tpu.memory_space<hbm>>) dst(%dma_wait3A_134 : memref<128xi32, #tpu.memory_space<vmem>>)
    %dma_wait3A_136 = arith.constant 2 : i32
    %dma_wait3A_137 = arith.constant 0 : i32
    %dma_wait3A_138 = tpu.memref_slice %arg11[%dma_wait3A_136, %dma_wait3A_137] : memref<4x128xi32, #tpu.memory_space<vmem>> -> memref<1x128xi32, #tpu.memory_space<vmem>>
    %dma_wait3A_139 = tpu.memref_squeeze %dma_wait3A_138 : memref<1x128xi32, #tpu.memory_space<vmem>> -> memref<128xi32, #tpu.memory_space<vmem>>
    %dma_wait3A_140 = tpu.memref_slice %arg3[%add3A_60] : memref<16384xi32, #tpu.memory_space<hbm>> -> memref<128xi32, #tpu.memory_space<hbm>>
    %dma_wait3A_141 = arith.constant 0 : i32
    %dma_wait3A_142 = tpu.memref_slice %arg11[%dma_wait3A_136, %dma_wait3A_141] : memref<4x128xi32, #tpu.memory_space<vmem>> -> memref<1x128xi32, #tpu.memory_space<vmem>>
    %dma_wait3A_143 = tpu.memref_squeeze %dma_wait3A_142 : memref<1x128xi32, #tpu.memory_space<vmem>> -> memref<128xi32, #tpu.memory_space<vmem>>
    %dma_wait3A_144 = tpu.memref_slice %arg3[%add3A_60] : memref<16384xi32, #tpu.memory_space<hbm>> -> memref<128xi32, #tpu.memory_space<hbm>>
    tpu.wait_dma2 semaphore(%arg34 : memref<!tpu.dma_semaphore, #tpu.memory_space<semaphore_mem>>) src(%dma_wait3A_144 : memref<128xi32, #tpu.memory_space<hbm>>) dst(%dma_wait3A_143 : memref<128xi32, #tpu.memory_space<vmem>>)
    %dma_wait3A_145 = arith.constant 3 : i32
    %dma_wait3A_146 = arith.constant 0 : i32
    %dma_wait3A_147 = tpu.memref_slice %arg10[%dma_wait3A_145, %dma_wait3A_146] : memref<4x128xi32, #tpu.memory_space<vmem>> -> memref<1x128xi32, #tpu.memory_space<vmem>>
    %dma_wait3A_148 = tpu.memref_squeeze %dma_wait3A_147 : memref<1x128xi32, #tpu.memory_space<vmem>> -> memref<128xi32, #tpu.memory_space<vmem>>
    %dma_wait3A_149 = tpu.memref_slice %arg2[%add3A_71] : memref<16384xi32, #tpu.memory_space<hbm>> -> memref<128xi32, #tpu.memory_space<hbm>>
    %dma_wait3A_150 = arith.constant 0 : i32
    %dma_wait3A_151 = tpu.memref_slice %arg10[%dma_wait3A_145, %dma_wait3A_150] : memref<4x128xi32, #tpu.memory_space<vmem>> -> memref<1x128xi32, #tpu.memory_space<vmem>>
    %dma_wait3A_152 = tpu.memref_squeeze %dma_wait3A_151 : memref<1x128xi32, #tpu.memory_space<vmem>> -> memref<128xi32, #tpu.memory_space<vmem>>
    %dma_wait3A_153 = tpu.memref_slice %arg2[%add3A_71] : memref<16384xi32, #tpu.memory_space<hbm>> -> memref<128xi32, #tpu.memory_space<hbm>>
    tpu.wait_dma2 semaphore(%arg34 : memref<!tpu.dma_semaphore, #tpu.memory_space<semaphore_mem>>) src(%dma_wait3A_153 : memref<128xi32, #tpu.memory_space<hbm>>) dst(%dma_wait3A_152 : memref<128xi32, #tpu.memory_space<vmem>>)
    %dma_wait3A_154 = arith.constant 3 : i32
    %dma_wait3A_155 = arith.constant 0 : i32
    %dma_wait3A_156 = tpu.memref_slice %arg11[%dma_wait3A_154, %dma_wait3A_155] : memref<4x128xi32, #tpu.memory_space<vmem>> -> memref<1x128xi32, #tpu.memory_space<vmem>>
    %dma_wait3A_157 = tpu.memref_squeeze %dma_wait3A_156 : memref<1x128xi32, #tpu.memory_space<vmem>> -> memref<128xi32, #tpu.memory_space<vmem>>
    %dma_wait3A_158 = tpu.memref_slice %arg3[%add3A_82] : memref<16384xi32, #tpu.memory_space<hbm>> -> memref<128xi32, #tpu.memory_space<hbm>>
    %dma_wait3A_159 = arith.constant 0 : i32
    %dma_wait3A_160 = tpu.memref_slice %arg11[%dma_wait3A_154, %dma_wait3A_159] : memref<4x128xi32, #tpu.memory_space<vmem>> -> memref<1x128xi32, #tpu.memory_space<vmem>>
    %dma_wait3A_161 = tpu.memref_squeeze %dma_wait3A_160 : memref<1x128xi32, #tpu.memory_space<vmem>> -> memref<128xi32, #tpu.memory_space<vmem>>
    %dma_wait3A_162 = tpu.memref_slice %arg3[%add3A_82] : memref<16384xi32, #tpu.memory_space<hbm>> -> memref<128xi32, #tpu.memory_space<hbm>>
    tpu.wait_dma2 semaphore(%arg34 : memref<!tpu.dma_semaphore, #tpu.memory_space<semaphore_mem>>) src(%dma_wait3A_162 : memref<128xi32, #tpu.memory_space<hbm>>) dst(%dma_wait3A_161 : memref<128xi32, #tpu.memory_space<vmem>>)
    %add3A_163 = arith.constant 0 : i32
    %add3A_164 = arith.addi %mul3A_4, %add3A_163 : i32
    %dma_start3A_165 = arith.constant 0 : i32
    %dma_start3A_166 = arith.constant 0 : i32
    %dma_start3A_167 = tpu.memref_slice %arg10[%dma_start3A_165, %dma_start3A_166] : memref<4x128xi32, #tpu.memory_space<vmem>> -> memref<1x128xi32, #tpu.memory_space<vmem>>
    %dma_start3A_168 = tpu.memref_squeeze %dma_start3A_167 : memref<1x128xi32, #tpu.memory_space<vmem>> -> memref<128xi32, #tpu.memory_space<vmem>>
    %dma_start3A_169 = arith.constant 0 : i32
    %dma_start3A_170 = arith.constant 0 : i32
    %dma_start3A_171 = tpu.memref_slice %arg4[%dma_start3A_169, %dma_start3A_170] : memref<1000000x128xf32, #tpu.memory_space<hbm>> -> memref<1000000x128xf32, #tpu.memory_space<hbm>>
    tpu.enqueue_indirect_dma source(%dma_start3A_171 : memref<1000000x128xf32, #tpu.memory_space<hbm>>) target(%arg12 : memref<128x128xf32, #tpu.memory_space<vmem>>) offsets(%dma_start3A_168 : memref<128xi32, #tpu.memory_space<vmem>>) semaphore(%arg20 : memref<!tpu.dma_semaphore, #tpu.memory_space<semaphore_mem>>)
    %add3A_172 = arith.constant 128 : i32
    %add3A_173 = arith.addi %mul3A_4, %add3A_172 : i32
    %dma_start3A_174 = arith.constant 1 : i32
    %dma_start3A_175 = arith.constant 0 : i32
    %dma_start3A_176 = tpu.memref_slice %arg10[%dma_start3A_174, %dma_start3A_175] : memref<4x128xi32, #tpu.memory_space<vmem>> -> memref<1x128xi32, #tpu.memory_space<vmem>>
    %dma_start3A_177 = tpu.memref_squeeze %dma_start3A_176 : memref<1x128xi32, #tpu.memory_space<vmem>> -> memref<128xi32, #tpu.memory_space<vmem>>
    %dma_start3A_178 = arith.constant 0 : i32
    %dma_start3A_179 = arith.constant 0 : i32
    %dma_start3A_180 = tpu.memref_slice %arg4[%dma_start3A_178, %dma_start3A_179] : memref<1000000x128xf32, #tpu.memory_space<hbm>> -> memref<1000000x128xf32, #tpu.memory_space<hbm>>
    tpu.enqueue_indirect_dma source(%dma_start3A_180 : memref<1000000x128xf32, #tpu.memory_space<hbm>>) target(%arg13 : memref<128x128xf32, #tpu.memory_space<vmem>>) offsets(%dma_start3A_177 : memref<128xi32, #tpu.memory_space<vmem>>) semaphore(%arg21 : memref<!tpu.dma_semaphore, #tpu.memory_space<semaphore_mem>>)
    %add3A_181 = arith.constant 256 : i32
    %add3A_182 = arith.addi %mul3A_4, %add3A_181 : i32
    %dma_start3A_183 = arith.constant 2 : i32
    %dma_start3A_184 = arith.constant 0 : i32
    %dma_start3A_185 = tpu.memref_slice %arg10[%dma_start3A_183, %dma_start3A_184] : memref<4x128xi32, #tpu.memory_space<vmem>> -> memref<1x128xi32, #tpu.memory_space<vmem>>
    %dma_start3A_186 = tpu.memref_squeeze %dma_start3A_185 : memref<1x128xi32, #tpu.memory_space<vmem>> -> memref<128xi32, #tpu.memory_space<vmem>>
    %dma_start3A_187 = arith.constant 0 : i32
    %dma_start3A_188 = arith.constant 0 : i32
    %dma_start3A_189 = tpu.memref_slice %arg4[%dma_start3A_187, %dma_start3A_188] : memref<1000000x128xf32, #tpu.memory_space<hbm>> -> memref<1000000x128xf32, #tpu.memory_space<hbm>>
    tpu.enqueue_indirect_dma source(%dma_start3A_189 : memref<1000000x128xf32, #tpu.memory_space<hbm>>) target(%arg14 : memref<128x128xf32, #tpu.memory_space<vmem>>) offsets(%dma_start3A_186 : memref<128xi32, #tpu.memory_space<vmem>>) semaphore(%arg22 : memref<!tpu.dma_semaphore, #tpu.memory_space<semaphore_mem>>)
    %add3A_190 = arith.constant 384 : i32
    %add3A_191 = arith.addi %mul3A_4, %add3A_190 : i32
    %dma_start3A_192 = arith.constant 3 : i32
    %dma_start3A_193 = arith.constant 0 : i32
    %dma_start3A_194 = tpu.memref_slice %arg10[%dma_start3A_192, %dma_start3A_193] : memref<4x128xi32, #tpu.memory_space<vmem>> -> memref<1x128xi32, #tpu.memory_space<vmem>>
    %dma_start3A_195 = tpu.memref_squeeze %dma_start3A_194 : memref<1x128xi32, #tpu.memory_space<vmem>> -> memref<128xi32, #tpu.memory_space<vmem>>
    %dma_start3A_196 = arith.constant 0 : i32
    %dma_start3A_197 = arith.constant 0 : i32
    %dma_start3A_198 = tpu.memref_slice %arg4[%dma_start3A_196, %dma_start3A_197] : memref<1000000x128xf32, #tpu.memory_space<hbm>> -> memref<1000000x128xf32, #tpu.memory_space<hbm>>
    tpu.enqueue_indirect_dma source(%dma_start3A_198 : memref<1000000x128xf32, #tpu.memory_space<hbm>>) target(%arg15 : memref<128x128xf32, #tpu.memory_space<vmem>>) offsets(%dma_start3A_195 : memref<128xi32, #tpu.memory_space<vmem>>) semaphore(%arg23 : memref<!tpu.dma_semaphore, #tpu.memory_space<semaphore_mem>>)
    %add3A_199 = arith.constant 0 : i32
    %add3A_200 = arith.addi %mul3A_4, %add3A_199 : i32
    %dma_start3A_201 = arith.constant 0 : i32
    %dma_start3A_202 = arith.constant 0 : i32
    %dma_start3A_203 = tpu.memref_slice %arg11[%dma_start3A_201, %dma_start3A_202] : memref<4x128xi32, #tpu.memory_space<vmem>> -> memref<1x128xi32, #tpu.memory_space<vmem>>
    %dma_start3A_204 = tpu.memref_squeeze %dma_start3A_203 : memref<1x128xi32, #tpu.memory_space<vmem>> -> memref<128xi32, #tpu.memory_space<vmem>>
    %dma_start3A_205 = arith.constant 0 : i32
    %dma_start3A_206 = arith.constant 0 : i32
    %dma_start3A_207 = tpu.memref_slice %arg5[%dma_start3A_205, %dma_start3A_206] : memref<100000x128xf32, #tpu.memory_space<hbm>> -> memref<100000x128xf32, #tpu.memory_space<hbm>>
    tpu.enqueue_indirect_dma source(%dma_start3A_207 : memref<100000x128xf32, #tpu.memory_space<hbm>>) target(%arg16 : memref<128x128xf32, #tpu.memory_space<vmem>>) offsets(%dma_start3A_204 : memref<128xi32, #tpu.memory_space<vmem>>) semaphore(%arg24 : memref<!tpu.dma_semaphore, #tpu.memory_space<semaphore_mem>>)
    %add3A_208 = arith.constant 128 : i32
    %add3A_209 = arith.addi %mul3A_4, %add3A_208 : i32
    %dma_start3A_210 = arith.constant 1 : i32
    %dma_start3A_211 = arith.constant 0 : i32
    %dma_start3A_212 = tpu.memref_slice %arg11[%dma_start3A_210, %dma_start3A_211] : memref<4x128xi32, #tpu.memory_space<vmem>> -> memref<1x128xi32, #tpu.memory_space<vmem>>
    %dma_start3A_213 = tpu.memref_squeeze %dma_start3A_212 : memref<1x128xi32, #tpu.memory_space<vmem>> -> memref<128xi32, #tpu.memory_space<vmem>>
    %dma_start3A_214 = arith.constant 0 : i32
    %dma_start3A_215 = arith.constant 0 : i32
    %dma_start3A_216 = tpu.memref_slice %arg5[%dma_start3A_214, %dma_start3A_215] : memref<100000x128xf32, #tpu.memory_space<hbm>> -> memref<100000x128xf32, #tpu.memory_space<hbm>>
    tpu.enqueue_indirect_dma source(%dma_start3A_216 : memref<100000x128xf32, #tpu.memory_space<hbm>>) target(%arg17 : memref<128x128xf32, #tpu.memory_space<vmem>>) offsets(%dma_start3A_213 : memref<128xi32, #tpu.memory_space<vmem>>) semaphore(%arg25 : memref<!tpu.dma_semaphore, #tpu.memory_space<semaphore_mem>>)
    %add3A_217 = arith.constant 256 : i32
    %add3A_218 = arith.addi %mul3A_4, %add3A_217 : i32
    %dma_start3A_219 = arith.constant 2 : i32
    %dma_start3A_220 = arith.constant 0 : i32
    %dma_start3A_221 = tpu.memref_slice %arg11[%dma_start3A_219, %dma_start3A_220] : memref<4x128xi32, #tpu.memory_space<vmem>> -> memref<1x128xi32, #tpu.memory_space<vmem>>
    %dma_start3A_222 = tpu.memref_squeeze %dma_start3A_221 : memref<1x128xi32, #tpu.memory_space<vmem>> -> memref<128xi32, #tpu.memory_space<vmem>>
    %dma_start3A_223 = arith.constant 0 : i32
    %dma_start3A_224 = arith.constant 0 : i32
    %dma_start3A_225 = tpu.memref_slice %arg5[%dma_start3A_223, %dma_start3A_224] : memref<100000x128xf32, #tpu.memory_space<hbm>> -> memref<100000x128xf32, #tpu.memory_space<hbm>>
    tpu.enqueue_indirect_dma source(%dma_start3A_225 : memref<100000x128xf32, #tpu.memory_space<hbm>>) target(%arg18 : memref<128x128xf32, #tpu.memory_space<vmem>>) offsets(%dma_start3A_222 : memref<128xi32, #tpu.memory_space<vmem>>) semaphore(%arg26 : memref<!tpu.dma_semaphore, #tpu.memory_space<semaphore_mem>>)
    %dma_start3A_226 = arith.constant 0 : i32
    %dma_start3A_227 = arith.constant 0 : i32
    %dma_start3A_228 = arith.constant 0 : i32
    %dma_start3A_229 = tpu.memref_slice %arg19[%dma_start3A_227, %dma_start3A_228] : memref<4x128xf32, #tpu.memory_space<vmem>> -> memref<1x128xf32, #tpu.memory_space<vmem>>
    %dma_start3A_230 = tpu.memref_squeeze %dma_start3A_229 : memref<1x128xf32, #tpu.memory_space<vmem>> -> memref<128xf32, #tpu.memory_space<vmem>>
    %dma_start3A_231 = arith.constant 0 : i32
    %dma_start3A_232 = tpu.memref_slice %arg11[%dma_start3A_226, %dma_start3A_231] : memref<4x128xi32, #tpu.memory_space<vmem>> -> memref<1x128xi32, #tpu.memory_space<vmem>>
    %dma_start3A_233 = tpu.memref_squeeze %dma_start3A_232 : memref<1x128xi32, #tpu.memory_space<vmem>> -> memref<128xi32, #tpu.memory_space<vmem>>
    %dma_start3A_234 = arith.constant 0 : i32
    %dma_start3A_235 = tpu.memref_slice %arg6[%dma_start3A_234] : memref<100000xf32, #tpu.memory_space<hbm>> -> memref<100000xf32, #tpu.memory_space<hbm>>
    tpu.enqueue_indirect_dma source(%dma_start3A_235 : memref<100000xf32, #tpu.memory_space<hbm>>) target(%dma_start3A_230 : memref<128xf32, #tpu.memory_space<vmem>>) offsets(%dma_start3A_233 : memref<128xi32, #tpu.memory_space<vmem>>) semaphore(%arg34 : memref<!tpu.dma_semaphore, #tpu.memory_space<semaphore_mem>>)
    %dma_start3A_236 = arith.constant 1 : i32
    %dma_start3A_237 = arith.constant 1 : i32
    %dma_start3A_238 = arith.constant 0 : i32
    %dma_start3A_239 = tpu.memref_slice %arg19[%dma_start3A_237, %dma_start3A_238] : memref<4x128xf32, #tpu.memory_space<vmem>> -> memref<1x128xf32, #tpu.memory_space<vmem>>
    %dma_start3A_240 = tpu.memref_squeeze %dma_start3A_239 : memref<1x128xf32, #tpu.memory_space<vmem>> -> memref<128xf32, #tpu.memory_space<vmem>>
    %dma_start3A_241 = arith.constant 0 : i32
    %dma_start3A_242 = tpu.memref_slice %arg11[%dma_start3A_236, %dma_start3A_241] : memref<4x128xi32, #tpu.memory_space<vmem>> -> memref<1x128xi32, #tpu.memory_space<vmem>>
    %dma_start3A_243 = tpu.memref_squeeze %dma_start3A_242 : memref<1x128xi32, #tpu.memory_space<vmem>> -> memref<128xi32, #tpu.memory_space<vmem>>
    %dma_start3A_244 = arith.constant 0 : i32
    %dma_start3A_245 = tpu.memref_slice %arg6[%dma_start3A_244] : memref<100000xf32, #tpu.memory_space<hbm>> -> memref<100000xf32, #tpu.memory_space<hbm>>
    tpu.enqueue_indirect_dma source(%dma_start3A_245 : memref<100000xf32, #tpu.memory_space<hbm>>) target(%dma_start3A_240 : memref<128xf32, #tpu.memory_space<vmem>>) offsets(%dma_start3A_243 : memref<128xi32, #tpu.memory_space<vmem>>) semaphore(%arg34 : memref<!tpu.dma_semaphore, #tpu.memory_space<semaphore_mem>>)
    %dma_start3A_246 = arith.constant 2 : i32
    %dma_start3A_247 = arith.constant 2 : i32
    %dma_start3A_248 = arith.constant 0 : i32
    %dma_start3A_249 = tpu.memref_slice %arg19[%dma_start3A_247, %dma_start3A_248] : memref<4x128xf32, #tpu.memory_space<vmem>> -> memref<1x128xf32, #tpu.memory_space<vmem>>
    %dma_start3A_250 = tpu.memref_squeeze %dma_start3A_249 : memref<1x128xf32, #tpu.memory_space<vmem>> -> memref<128xf32, #tpu.memory_space<vmem>>
    %dma_start3A_251 = arith.constant 0 : i32
    %dma_start3A_252 = tpu.memref_slice %arg11[%dma_start3A_246, %dma_start3A_251] : memref<4x128xi32, #tpu.memory_space<vmem>> -> memref<1x128xi32, #tpu.memory_space<vmem>>
    %dma_start3A_253 = tpu.memref_squeeze %dma_start3A_252 : memref<1x128xi32, #tpu.memory_space<vmem>> -> memref<128xi32, #tpu.memory_space<vmem>>
    %dma_start3A_254 = arith.constant 0 : i32
    %dma_start3A_255 = tpu.memref_slice %arg6[%dma_start3A_254] : memref<100000xf32, #tpu.memory_space<hbm>> -> memref<100000xf32, #tpu.memory_space<hbm>>
    tpu.enqueue_indirect_dma source(%dma_start3A_255 : memref<100000xf32, #tpu.memory_space<hbm>>) target(%dma_start3A_250 : memref<128xf32, #tpu.memory_space<vmem>>) offsets(%dma_start3A_253 : memref<128xi32, #tpu.memory_space<vmem>>) semaphore(%arg34 : memref<!tpu.dma_semaphore, #tpu.memory_space<semaphore_mem>>)
    %dma_start3A_256 = arith.constant 3 : i32
    %dma_start3A_257 = arith.constant 3 : i32
    %dma_start3A_258 = arith.constant 0 : i32
    %dma_start3A_259 = tpu.memref_slice %arg19[%dma_start3A_257, %dma_start3A_258] : memref<4x128xf32, #tpu.memory_space<vmem>> -> memref<1x128xf32, #tpu.memory_space<vmem>>
    %dma_start3A_260 = tpu.memref_squeeze %dma_start3A_259 : memref<1x128xf32, #tpu.memory_space<vmem>> -> memref<128xf32, #tpu.memory_space<vmem>>
    %dma_start3A_261 = arith.constant 0 : i32
    %dma_start3A_262 = tpu.memref_slice %arg11[%dma_start3A_256, %dma_start3A_261] : memref<4x128xi32, #tpu.memory_space<vmem>> -> memref<1x128xi32, #tpu.memory_space<vmem>>
    %dma_start3A_263 = tpu.memref_squeeze %dma_start3A_262 : memref<1x128xi32, #tpu.memory_space<vmem>> -> memref<128xi32, #tpu.memory_space<vmem>>
    %dma_start3A_264 = arith.constant 0 : i32
    %dma_start3A_265 = tpu.memref_slice %arg6[%dma_start3A_264] : memref<100000xf32, #tpu.memory_space<hbm>> -> memref<100000xf32, #tpu.memory_space<hbm>>
    tpu.enqueue_indirect_dma source(%dma_start3A_265 : memref<100000xf32, #tpu.memory_space<hbm>>) target(%dma_start3A_260 : memref<128xf32, #tpu.memory_space<vmem>>) offsets(%dma_start3A_263 : memref<128xi32, #tpu.memory_space<vmem>>) semaphore(%arg34 : memref<!tpu.dma_semaphore, #tpu.memory_space<semaphore_mem>>)
    %dma_wait3A_266 = arith.constant 0 : i32
    %dma_wait3A_267 = arith.constant 0 : i32
    %dma_wait3A_268 = tpu.memref_slice %arg10[%dma_wait3A_266, %dma_wait3A_267] : memref<4x128xi32, #tpu.memory_space<vmem>> -> memref<1x128xi32, #tpu.memory_space<vmem>>
    %dma_wait3A_269 = tpu.memref_squeeze %dma_wait3A_268 : memref<1x128xi32, #tpu.memory_space<vmem>> -> memref<128xi32, #tpu.memory_space<vmem>>
    %dma_wait3A_270 = arith.constant 0 : i32
    %dma_wait3A_271 = arith.constant 0 : i32
    %dma_wait3A_272 = tpu.memref_slice %arg4[%dma_wait3A_270, %dma_wait3A_271] : memref<1000000x128xf32, #tpu.memory_space<hbm>> -> memref<1000000x128xf32, #tpu.memory_space<hbm>>
    tpu.wait_indirect_dma semaphore(%arg20 : memref<!tpu.dma_semaphore, #tpu.memory_space<semaphore_mem>>) src(%dma_wait3A_272 : memref<1000000x128xf32, #tpu.memory_space<hbm>>) dst(%arg12 : memref<128x128xf32, #tpu.memory_space<vmem>>)
    %add3A_273 = arith.constant 0 : i32
    %add3A_274 = arith.addi %mul3A_4, %add3A_273 : i32
    %dma_start3A_275 = arith.constant 0 : i32
    %dma_start3A_276 = tpu.memref_slice %arg7[%add3A_274, %dma_start3A_275] : memref<16384x128xf32, #tpu.memory_space<hbm>> -> memref<128x128xf32, #tpu.memory_space<hbm>>
    %dma_start3A_277 = arith.constant 0 : i32
    %dma_start3A_278 = tpu.memref_slice %arg7[%add3A_274, %dma_start3A_277] : memref<16384x128xf32, #tpu.memory_space<hbm>> -> memref<128x128xf32, #tpu.memory_space<hbm>>
    tpu.enqueue_dma source(%arg12 : memref<128x128xf32, #tpu.memory_space<vmem>>) target(%dma_start3A_278 : memref<128x128xf32, #tpu.memory_space<hbm>>) target_semaphore(%arg27 : memref<!tpu.dma_semaphore, #tpu.memory_space<semaphore_mem>>)
    %dma_wait3A_279 = arith.constant 0 : i32
    %dma_wait3A_280 = tpu.memref_slice %arg7[%add3A_274, %dma_wait3A_279] : memref<16384x128xf32, #tpu.memory_space<hbm>> -> memref<128x128xf32, #tpu.memory_space<hbm>>
    %dma_wait3A_281 = arith.constant 0 : i32
    %dma_wait3A_282 = tpu.memref_slice %arg7[%add3A_274, %dma_wait3A_281] : memref<16384x128xf32, #tpu.memory_space<hbm>> -> memref<128x128xf32, #tpu.memory_space<hbm>>
    tpu.wait_dma2 semaphore(%arg27 : memref<!tpu.dma_semaphore, #tpu.memory_space<semaphore_mem>>) src(%arg12 : memref<128x128xf32, #tpu.memory_space<vmem>>) dst(%dma_wait3A_282 : memref<128x128xf32, #tpu.memory_space<hbm>>)
    %add3A_283 = arith.constant 384 : i32
    %add3A_284 = arith.addi %mul3A_4, %add3A_283 : i32
    %dma_start3A_285 = arith.constant 3 : i32
    %dma_start3A_286 = arith.constant 0 : i32
    %dma_start3A_287 = tpu.memref_slice %arg11[%dma_start3A_285, %dma_start3A_286] : memref<4x128xi32, #tpu.memory_space<vmem>> -> memref<1x128xi32, #tpu.memory_space<vmem>>
    %dma_start3A_288 = tpu.memref_squeeze %dma_start3A_287 : memref<1x128xi32, #tpu.memory_space<vmem>> -> memref<128xi32, #tpu.memory_space<vmem>>
    %dma_start3A_289 = arith.constant 0 : i32
    %dma_start3A_290 = arith.constant 0 : i32
    %dma_start3A_291 = tpu.memref_slice %arg5[%dma_start3A_289, %dma_start3A_290] : memref<100000x128xf32, #tpu.memory_space<hbm>> -> memref<100000x128xf32, #tpu.memory_space<hbm>>
    tpu.enqueue_indirect_dma source(%dma_start3A_291 : memref<100000x128xf32, #tpu.memory_space<hbm>>) target(%arg12 : memref<128x128xf32, #tpu.memory_space<vmem>>) offsets(%dma_start3A_288 : memref<128xi32, #tpu.memory_space<vmem>>) semaphore(%arg20 : memref<!tpu.dma_semaphore, #tpu.memory_space<semaphore_mem>>)
    %dma_wait3A_292 = arith.constant 1 : i32
    %dma_wait3A_293 = arith.constant 0 : i32
    %dma_wait3A_294 = tpu.memref_slice %arg10[%dma_wait3A_292, %dma_wait3A_293] : memref<4x128xi32, #tpu.memory_space<vmem>> -> memref<1x128xi32, #tpu.memory_space<vmem>>
    %dma_wait3A_295 = tpu.memref_squeeze %dma_wait3A_294 : memref<1x128xi32, #tpu.memory_space<vmem>> -> memref<128xi32, #tpu.memory_space<vmem>>
    %dma_wait3A_296 = arith.constant 0 : i32
    %dma_wait3A_297 = arith.constant 0 : i32
    %dma_wait3A_298 = tpu.memref_slice %arg4[%dma_wait3A_296, %dma_wait3A_297] : memref<1000000x128xf32, #tpu.memory_space<hbm>> -> memref<1000000x128xf32, #tpu.memory_space<hbm>>
    tpu.wait_indirect_dma semaphore(%arg21 : memref<!tpu.dma_semaphore, #tpu.memory_space<semaphore_mem>>) src(%dma_wait3A_298 : memref<1000000x128xf32, #tpu.memory_space<hbm>>) dst(%arg13 : memref<128x128xf32, #tpu.memory_space<vmem>>)
    %add3A_299 = arith.constant 128 : i32
    %add3A_300 = arith.addi %mul3A_4, %add3A_299 : i32
    %dma_start3A_301 = arith.constant 0 : i32
    %dma_start3A_302 = tpu.memref_slice %arg7[%add3A_300, %dma_start3A_301] : memref<16384x128xf32, #tpu.memory_space<hbm>> -> memref<128x128xf32, #tpu.memory_space<hbm>>
    %dma_start3A_303 = arith.constant 0 : i32
    %dma_start3A_304 = tpu.memref_slice %arg7[%add3A_300, %dma_start3A_303] : memref<16384x128xf32, #tpu.memory_space<hbm>> -> memref<128x128xf32, #tpu.memory_space<hbm>>
    tpu.enqueue_dma source(%arg13 : memref<128x128xf32, #tpu.memory_space<vmem>>) target(%dma_start3A_304 : memref<128x128xf32, #tpu.memory_space<hbm>>) target_semaphore(%arg28 : memref<!tpu.dma_semaphore, #tpu.memory_space<semaphore_mem>>)
    %dma_wait3A_305 = arith.constant 2 : i32
    %dma_wait3A_306 = arith.constant 0 : i32
    %dma_wait3A_307 = tpu.memref_slice %arg10[%dma_wait3A_305, %dma_wait3A_306] : memref<4x128xi32, #tpu.memory_space<vmem>> -> memref<1x128xi32, #tpu.memory_space<vmem>>
    %dma_wait3A_308 = tpu.memref_squeeze %dma_wait3A_307 : memref<1x128xi32, #tpu.memory_space<vmem>> -> memref<128xi32, #tpu.memory_space<vmem>>
    %dma_wait3A_309 = arith.constant 0 : i32
    %dma_wait3A_310 = arith.constant 0 : i32
    %dma_wait3A_311 = tpu.memref_slice %arg4[%dma_wait3A_309, %dma_wait3A_310] : memref<1000000x128xf32, #tpu.memory_space<hbm>> -> memref<1000000x128xf32, #tpu.memory_space<hbm>>
    tpu.wait_indirect_dma semaphore(%arg22 : memref<!tpu.dma_semaphore, #tpu.memory_space<semaphore_mem>>) src(%dma_wait3A_311 : memref<1000000x128xf32, #tpu.memory_space<hbm>>) dst(%arg14 : memref<128x128xf32, #tpu.memory_space<vmem>>)
    %add3A_312 = arith.constant 256 : i32
    %add3A_313 = arith.addi %mul3A_4, %add3A_312 : i32
    %dma_start3A_314 = arith.constant 0 : i32
    %dma_start3A_315 = tpu.memref_slice %arg7[%add3A_313, %dma_start3A_314] : memref<16384x128xf32, #tpu.memory_space<hbm>> -> memref<128x128xf32, #tpu.memory_space<hbm>>
    %dma_start3A_316 = arith.constant 0 : i32
    %dma_start3A_317 = tpu.memref_slice %arg7[%add3A_313, %dma_start3A_316] : memref<16384x128xf32, #tpu.memory_space<hbm>> -> memref<128x128xf32, #tpu.memory_space<hbm>>
    tpu.enqueue_dma source(%arg14 : memref<128x128xf32, #tpu.memory_space<vmem>>) target(%dma_start3A_317 : memref<128x128xf32, #tpu.memory_space<hbm>>) target_semaphore(%arg29 : memref<!tpu.dma_semaphore, #tpu.memory_space<semaphore_mem>>)
    %dma_wait3A_318 = arith.constant 3 : i32
    %dma_wait3A_319 = arith.constant 0 : i32
    %dma_wait3A_320 = tpu.memref_slice %arg10[%dma_wait3A_318, %dma_wait3A_319] : memref<4x128xi32, #tpu.memory_space<vmem>> -> memref<1x128xi32, #tpu.memory_space<vmem>>
    %dma_wait3A_321 = tpu.memref_squeeze %dma_wait3A_320 : memref<1x128xi32, #tpu.memory_space<vmem>> -> memref<128xi32, #tpu.memory_space<vmem>>
    %dma_wait3A_322 = arith.constant 0 : i32
    %dma_wait3A_323 = arith.constant 0 : i32
    %dma_wait3A_324 = tpu.memref_slice %arg4[%dma_wait3A_322, %dma_wait3A_323] : memref<1000000x128xf32, #tpu.memory_space<hbm>> -> memref<1000000x128xf32, #tpu.memory_space<hbm>>
    tpu.wait_indirect_dma semaphore(%arg23 : memref<!tpu.dma_semaphore, #tpu.memory_space<semaphore_mem>>) src(%dma_wait3A_324 : memref<1000000x128xf32, #tpu.memory_space<hbm>>) dst(%arg15 : memref<128x128xf32, #tpu.memory_space<vmem>>)
    %add3A_325 = arith.constant 384 : i32
    %add3A_326 = arith.addi %mul3A_4, %add3A_325 : i32
    %dma_start3A_327 = arith.constant 0 : i32
    %dma_start3A_328 = tpu.memref_slice %arg7[%add3A_326, %dma_start3A_327] : memref<16384x128xf32, #tpu.memory_space<hbm>> -> memref<128x128xf32, #tpu.memory_space<hbm>>
    %dma_start3A_329 = arith.constant 0 : i32
    %dma_start3A_330 = tpu.memref_slice %arg7[%add3A_326, %dma_start3A_329] : memref<16384x128xf32, #tpu.memory_space<hbm>> -> memref<128x128xf32, #tpu.memory_space<hbm>>
    tpu.enqueue_dma source(%arg15 : memref<128x128xf32, #tpu.memory_space<vmem>>) target(%dma_start3A_330 : memref<128x128xf32, #tpu.memory_space<hbm>>) target_semaphore(%arg30 : memref<!tpu.dma_semaphore, #tpu.memory_space<semaphore_mem>>)
    %dma_wait3A_331 = arith.constant 0 : i32
    %dma_wait3A_332 = arith.constant 0 : i32
    %dma_wait3A_333 = tpu.memref_slice %arg11[%dma_wait3A_331, %dma_wait3A_332] : memref<4x128xi32, #tpu.memory_space<vmem>> -> memref<1x128xi32, #tpu.memory_space<vmem>>
    %dma_wait3A_334 = tpu.memref_squeeze %dma_wait3A_333 : memref<1x128xi32, #tpu.memory_space<vmem>> -> memref<128xi32, #tpu.memory_space<vmem>>
    %dma_wait3A_335 = arith.constant 0 : i32
    %dma_wait3A_336 = arith.constant 0 : i32
    %dma_wait3A_337 = tpu.memref_slice %arg5[%dma_wait3A_335, %dma_wait3A_336] : memref<100000x128xf32, #tpu.memory_space<hbm>> -> memref<100000x128xf32, #tpu.memory_space<hbm>>
    tpu.wait_indirect_dma semaphore(%arg24 : memref<!tpu.dma_semaphore, #tpu.memory_space<semaphore_mem>>) src(%dma_wait3A_337 : memref<100000x128xf32, #tpu.memory_space<hbm>>) dst(%arg16 : memref<128x128xf32, #tpu.memory_space<vmem>>)
    %add3A_338 = arith.constant 0 : i32
    %add3A_339 = arith.addi %mul3A_4, %add3A_338 : i32
    %dma_start3A_340 = arith.constant 0 : i32
    %dma_start3A_341 = tpu.memref_slice %arg8[%add3A_339, %dma_start3A_340] : memref<16384x128xf32, #tpu.memory_space<hbm>> -> memref<128x128xf32, #tpu.memory_space<hbm>>
    %dma_start3A_342 = arith.constant 0 : i32
    %dma_start3A_343 = tpu.memref_slice %arg8[%add3A_339, %dma_start3A_342] : memref<16384x128xf32, #tpu.memory_space<hbm>> -> memref<128x128xf32, #tpu.memory_space<hbm>>
    tpu.enqueue_dma source(%arg16 : memref<128x128xf32, #tpu.memory_space<vmem>>) target(%dma_start3A_343 : memref<128x128xf32, #tpu.memory_space<hbm>>) target_semaphore(%arg31 : memref<!tpu.dma_semaphore, #tpu.memory_space<semaphore_mem>>)
    %dma_wait3A_344 = arith.constant 1 : i32
    %dma_wait3A_345 = arith.constant 0 : i32
    %dma_wait3A_346 = tpu.memref_slice %arg11[%dma_wait3A_344, %dma_wait3A_345] : memref<4x128xi32, #tpu.memory_space<vmem>> -> memref<1x128xi32, #tpu.memory_space<vmem>>
    %dma_wait3A_347 = tpu.memref_squeeze %dma_wait3A_346 : memref<1x128xi32, #tpu.memory_space<vmem>> -> memref<128xi32, #tpu.memory_space<vmem>>
    %dma_wait3A_348 = arith.constant 0 : i32
    %dma_wait3A_349 = arith.constant 0 : i32
    %dma_wait3A_350 = tpu.memref_slice %arg5[%dma_wait3A_348, %dma_wait3A_349] : memref<100000x128xf32, #tpu.memory_space<hbm>> -> memref<100000x128xf32, #tpu.memory_space<hbm>>
    tpu.wait_indirect_dma semaphore(%arg25 : memref<!tpu.dma_semaphore, #tpu.memory_space<semaphore_mem>>) src(%dma_wait3A_350 : memref<100000x128xf32, #tpu.memory_space<hbm>>) dst(%arg17 : memref<128x128xf32, #tpu.memory_space<vmem>>)
    %add3A_351 = arith.constant 128 : i32
    %add3A_352 = arith.addi %mul3A_4, %add3A_351 : i32
    %dma_start3A_353 = arith.constant 0 : i32
    %dma_start3A_354 = tpu.memref_slice %arg8[%add3A_352, %dma_start3A_353] : memref<16384x128xf32, #tpu.memory_space<hbm>> -> memref<128x128xf32, #tpu.memory_space<hbm>>
    %dma_start3A_355 = arith.constant 0 : i32
    %dma_start3A_356 = tpu.memref_slice %arg8[%add3A_352, %dma_start3A_355] : memref<16384x128xf32, #tpu.memory_space<hbm>> -> memref<128x128xf32, #tpu.memory_space<hbm>>
    tpu.enqueue_dma source(%arg17 : memref<128x128xf32, #tpu.memory_space<vmem>>) target(%dma_start3A_356 : memref<128x128xf32, #tpu.memory_space<hbm>>) target_semaphore(%arg32 : memref<!tpu.dma_semaphore, #tpu.memory_space<semaphore_mem>>)
    %dma_wait3A_357 = arith.constant 2 : i32
    %dma_wait3A_358 = arith.constant 0 : i32
    %dma_wait3A_359 = tpu.memref_slice %arg11[%dma_wait3A_357, %dma_wait3A_358] : memref<4x128xi32, #tpu.memory_space<vmem>> -> memref<1x128xi32, #tpu.memory_space<vmem>>
    %dma_wait3A_360 = tpu.memref_squeeze %dma_wait3A_359 : memref<1x128xi32, #tpu.memory_space<vmem>> -> memref<128xi32, #tpu.memory_space<vmem>>
    %dma_wait3A_361 = arith.constant 0 : i32
    %dma_wait3A_362 = arith.constant 0 : i32
    %dma_wait3A_363 = tpu.memref_slice %arg5[%dma_wait3A_361, %dma_wait3A_362] : memref<100000x128xf32, #tpu.memory_space<hbm>> -> memref<100000x128xf32, #tpu.memory_space<hbm>>
    tpu.wait_indirect_dma semaphore(%arg26 : memref<!tpu.dma_semaphore, #tpu.memory_space<semaphore_mem>>) src(%dma_wait3A_363 : memref<100000x128xf32, #tpu.memory_space<hbm>>) dst(%arg18 : memref<128x128xf32, #tpu.memory_space<vmem>>)
    %add3A_364 = arith.constant 256 : i32
    %add3A_365 = arith.addi %mul3A_4, %add3A_364 : i32
    %dma_start3A_366 = arith.constant 0 : i32
    %dma_start3A_367 = tpu.memref_slice %arg8[%add3A_365, %dma_start3A_366] : memref<16384x128xf32, #tpu.memory_space<hbm>> -> memref<128x128xf32, #tpu.memory_space<hbm>>
    %dma_start3A_368 = arith.constant 0 : i32
    %dma_start3A_369 = tpu.memref_slice %arg8[%add3A_365, %dma_start3A_368] : memref<16384x128xf32, #tpu.memory_space<hbm>> -> memref<128x128xf32, #tpu.memory_space<hbm>>
    tpu.enqueue_dma source(%arg18 : memref<128x128xf32, #tpu.memory_space<vmem>>) target(%dma_start3A_369 : memref<128x128xf32, #tpu.memory_space<hbm>>) target_semaphore(%arg33 : memref<!tpu.dma_semaphore, #tpu.memory_space<semaphore_mem>>)
    %dma_wait3A_370 = arith.constant 3 : i32
    %dma_wait3A_371 = arith.constant 0 : i32
    %dma_wait3A_372 = tpu.memref_slice %arg11[%dma_wait3A_370, %dma_wait3A_371] : memref<4x128xi32, #tpu.memory_space<vmem>> -> memref<1x128xi32, #tpu.memory_space<vmem>>
    %dma_wait3A_373 = tpu.memref_squeeze %dma_wait3A_372 : memref<1x128xi32, #tpu.memory_space<vmem>> -> memref<128xi32, #tpu.memory_space<vmem>>
    %dma_wait3A_374 = arith.constant 0 : i32
    %dma_wait3A_375 = arith.constant 0 : i32
    %dma_wait3A_376 = tpu.memref_slice %arg5[%dma_wait3A_374, %dma_wait3A_375] : memref<100000x128xf32, #tpu.memory_space<hbm>> -> memref<100000x128xf32, #tpu.memory_space<hbm>>
    tpu.wait_indirect_dma semaphore(%arg20 : memref<!tpu.dma_semaphore, #tpu.memory_space<semaphore_mem>>) src(%dma_wait3A_376 : memref<100000x128xf32, #tpu.memory_space<hbm>>) dst(%arg12 : memref<128x128xf32, #tpu.memory_space<vmem>>)
    %add3A_377 = arith.constant 384 : i32
    %add3A_378 = arith.addi %mul3A_4, %add3A_377 : i32
    %dma_start3A_379 = arith.constant 0 : i32
    %dma_start3A_380 = tpu.memref_slice %arg8[%add3A_378, %dma_start3A_379] : memref<16384x128xf32, #tpu.memory_space<hbm>> -> memref<128x128xf32, #tpu.memory_space<hbm>>
    %dma_start3A_381 = arith.constant 0 : i32
    %dma_start3A_382 = tpu.memref_slice %arg8[%add3A_378, %dma_start3A_381] : memref<16384x128xf32, #tpu.memory_space<hbm>> -> memref<128x128xf32, #tpu.memory_space<hbm>>
    tpu.enqueue_dma source(%arg12 : memref<128x128xf32, #tpu.memory_space<vmem>>) target(%dma_start3A_382 : memref<128x128xf32, #tpu.memory_space<hbm>>) target_semaphore(%arg27 : memref<!tpu.dma_semaphore, #tpu.memory_space<semaphore_mem>>)
    %dma_wait3A_383 = arith.constant 0 : i32
    %dma_wait3A_384 = arith.constant 0 : i32
    %dma_wait3A_385 = arith.constant 0 : i32
    %dma_wait3A_386 = tpu.memref_slice %arg19[%dma_wait3A_384, %dma_wait3A_385] : memref<4x128xf32, #tpu.memory_space<vmem>> -> memref<1x128xf32, #tpu.memory_space<vmem>>
    %dma_wait3A_387 = tpu.memref_squeeze %dma_wait3A_386 : memref<1x128xf32, #tpu.memory_space<vmem>> -> memref<128xf32, #tpu.memory_space<vmem>>
    %dma_wait3A_388 = arith.constant 0 : i32
    %dma_wait3A_389 = tpu.memref_slice %arg11[%dma_wait3A_383, %dma_wait3A_388] : memref<4x128xi32, #tpu.memory_space<vmem>> -> memref<1x128xi32, #tpu.memory_space<vmem>>
    %dma_wait3A_390 = tpu.memref_squeeze %dma_wait3A_389 : memref<1x128xi32, #tpu.memory_space<vmem>> -> memref<128xi32, #tpu.memory_space<vmem>>
    %dma_wait3A_391 = arith.constant 0 : i32
    %dma_wait3A_392 = tpu.memref_slice %arg6[%dma_wait3A_391] : memref<100000xf32, #tpu.memory_space<hbm>> -> memref<100000xf32, #tpu.memory_space<hbm>>
    tpu.wait_indirect_dma semaphore(%arg34 : memref<!tpu.dma_semaphore, #tpu.memory_space<semaphore_mem>>) src(%dma_wait3A_392 : memref<100000xf32, #tpu.memory_space<hbm>>) dst(%dma_wait3A_387 : memref<128xf32, #tpu.memory_space<vmem>>)
    %dma_wait3A_393 = arith.constant 1 : i32
    %dma_wait3A_394 = arith.constant 1 : i32
    %dma_wait3A_395 = arith.constant 0 : i32
    %dma_wait3A_396 = tpu.memref_slice %arg19[%dma_wait3A_394, %dma_wait3A_395] : memref<4x128xf32, #tpu.memory_space<vmem>> -> memref<1x128xf32, #tpu.memory_space<vmem>>
    %dma_wait3A_397 = tpu.memref_squeeze %dma_wait3A_396 : memref<1x128xf32, #tpu.memory_space<vmem>> -> memref<128xf32, #tpu.memory_space<vmem>>
    %dma_wait3A_398 = arith.constant 0 : i32
    %dma_wait3A_399 = tpu.memref_slice %arg11[%dma_wait3A_393, %dma_wait3A_398] : memref<4x128xi32, #tpu.memory_space<vmem>> -> memref<1x128xi32, #tpu.memory_space<vmem>>
    %dma_wait3A_400 = tpu.memref_squeeze %dma_wait3A_399 : memref<1x128xi32, #tpu.memory_space<vmem>> -> memref<128xi32, #tpu.memory_space<vmem>>
    %dma_wait3A_401 = arith.constant 0 : i32
    %dma_wait3A_402 = tpu.memref_slice %arg6[%dma_wait3A_401] : memref<100000xf32, #tpu.memory_space<hbm>> -> memref<100000xf32, #tpu.memory_space<hbm>>
    tpu.wait_indirect_dma semaphore(%arg34 : memref<!tpu.dma_semaphore, #tpu.memory_space<semaphore_mem>>) src(%dma_wait3A_402 : memref<100000xf32, #tpu.memory_space<hbm>>) dst(%dma_wait3A_397 : memref<128xf32, #tpu.memory_space<vmem>>)
    %dma_wait3A_403 = arith.constant 2 : i32
    %dma_wait3A_404 = arith.constant 2 : i32
    %dma_wait3A_405 = arith.constant 0 : i32
    %dma_wait3A_406 = tpu.memref_slice %arg19[%dma_wait3A_404, %dma_wait3A_405] : memref<4x128xf32, #tpu.memory_space<vmem>> -> memref<1x128xf32, #tpu.memory_space<vmem>>
    %dma_wait3A_407 = tpu.memref_squeeze %dma_wait3A_406 : memref<1x128xf32, #tpu.memory_space<vmem>> -> memref<128xf32, #tpu.memory_space<vmem>>
    %dma_wait3A_408 = arith.constant 0 : i32
    %dma_wait3A_409 = tpu.memref_slice %arg11[%dma_wait3A_403, %dma_wait3A_408] : memref<4x128xi32, #tpu.memory_space<vmem>> -> memref<1x128xi32, #tpu.memory_space<vmem>>
    %dma_wait3A_410 = tpu.memref_squeeze %dma_wait3A_409 : memref<1x128xi32, #tpu.memory_space<vmem>> -> memref<128xi32, #tpu.memory_space<vmem>>
    %dma_wait3A_411 = arith.constant 0 : i32
    %dma_wait3A_412 = tpu.memref_slice %arg6[%dma_wait3A_411] : memref<100000xf32, #tpu.memory_space<hbm>> -> memref<100000xf32, #tpu.memory_space<hbm>>
    tpu.wait_indirect_dma semaphore(%arg34 : memref<!tpu.dma_semaphore, #tpu.memory_space<semaphore_mem>>) src(%dma_wait3A_412 : memref<100000xf32, #tpu.memory_space<hbm>>) dst(%dma_wait3A_407 : memref<128xf32, #tpu.memory_space<vmem>>)
    %dma_wait3A_413 = arith.constant 3 : i32
    %dma_wait3A_414 = arith.constant 3 : i32
    %dma_wait3A_415 = arith.constant 0 : i32
    %dma_wait3A_416 = tpu.memref_slice %arg19[%dma_wait3A_414, %dma_wait3A_415] : memref<4x128xf32, #tpu.memory_space<vmem>> -> memref<1x128xf32, #tpu.memory_space<vmem>>
    %dma_wait3A_417 = tpu.memref_squeeze %dma_wait3A_416 : memref<1x128xf32, #tpu.memory_space<vmem>> -> memref<128xf32, #tpu.memory_space<vmem>>
    %dma_wait3A_418 = arith.constant 0 : i32
    %dma_wait3A_419 = tpu.memref_slice %arg11[%dma_wait3A_413, %dma_wait3A_418] : memref<4x128xi32, #tpu.memory_space<vmem>> -> memref<1x128xi32, #tpu.memory_space<vmem>>
    %dma_wait3A_420 = tpu.memref_squeeze %dma_wait3A_419 : memref<1x128xi32, #tpu.memory_space<vmem>> -> memref<128xi32, #tpu.memory_space<vmem>>
    %dma_wait3A_421 = arith.constant 0 : i32
    %dma_wait3A_422 = tpu.memref_slice %arg6[%dma_wait3A_421] : memref<100000xf32, #tpu.memory_space<hbm>> -> memref<100000xf32, #tpu.memory_space<hbm>>
    tpu.wait_indirect_dma semaphore(%arg34 : memref<!tpu.dma_semaphore, #tpu.memory_space<semaphore_mem>>) src(%dma_wait3A_422 : memref<100000xf32, #tpu.memory_space<hbm>>) dst(%dma_wait3A_417 : memref<128xf32, #tpu.memory_space<vmem>>)
    "tpu.region"() ({
      %run_scoped3A = tpu.sem_alloc : memref<!tpu.dma_semaphore, #tpu.memory_space<semaphore_mem>>
      %dma_start3A_451 = arith.constant 0 : i32
      %dma_start3A_452 = tpu.memref_slice %arg9[%mul3A_2, %dma_start3A_451] : memref<128x128xf32, #tpu.memory_space<hbm>> -> memref<4x128xf32, #tpu.memory_space<hbm>>
      %dma_start3A_453 = arith.constant 0 : i32
      %dma_start3A_454 = tpu.memref_slice %arg9[%mul3A_2, %dma_start3A_453] : memref<128x128xf32, #tpu.memory_space<hbm>> -> memref<4x128xf32, #tpu.memory_space<hbm>>
      tpu.enqueue_dma source(%arg19 : memref<4x128xf32, #tpu.memory_space<vmem>>) target(%dma_start3A_454 : memref<4x128xf32, #tpu.memory_space<hbm>>) target_semaphore(%run_scoped3A : memref<!tpu.dma_semaphore, #tpu.memory_space<semaphore_mem>>)
      %dma_wait3A_455 = arith.constant 0 : i32
      %dma_wait3A_456 = tpu.memref_slice %arg9[%mul3A_2, %dma_wait3A_455] : memref<128x128xf32, #tpu.memory_space<hbm>> -> memref<4x128xf32, #tpu.memory_space<hbm>>
      %dma_wait3A_457 = arith.constant 0 : i32
      %dma_wait3A_458 = tpu.memref_slice %arg9[%mul3A_2, %dma_wait3A_457] : memref<128x128xf32, #tpu.memory_space<hbm>> -> memref<4x128xf32, #tpu.memory_space<hbm>>
      tpu.wait_dma2 semaphore(%run_scoped3A : memref<!tpu.dma_semaphore, #tpu.memory_space<semaphore_mem>>) src(%arg19 : memref<4x128xf32, #tpu.memory_space<vmem>>) dst(%dma_wait3A_458 : memref<4x128xf32, #tpu.memory_space<hbm>>)
      tpu.yield
    }) : () -> ()
    %dma_wait3A_423 = arith.constant 0 : i32
    %dma_wait3A_424 = tpu.memref_slice %arg7[%add3A_300, %dma_wait3A_423] : memref<16384x128xf32, #tpu.memory_space<hbm>> -> memref<128x128xf32, #tpu.memory_space<hbm>>
    %dma_wait3A_425 = arith.constant 0 : i32
    %dma_wait3A_426 = tpu.memref_slice %arg7[%add3A_300, %dma_wait3A_425] : memref<16384x128xf32, #tpu.memory_space<hbm>> -> memref<128x128xf32, #tpu.memory_space<hbm>>
    tpu.wait_dma2 semaphore(%arg28 : memref<!tpu.dma_semaphore, #tpu.memory_space<semaphore_mem>>) src(%arg13 : memref<128x128xf32, #tpu.memory_space<vmem>>) dst(%dma_wait3A_426 : memref<128x128xf32, #tpu.memory_space<hbm>>)
    %dma_wait3A_427 = arith.constant 0 : i32
    %dma_wait3A_428 = tpu.memref_slice %arg7[%add3A_313, %dma_wait3A_427] : memref<16384x128xf32, #tpu.memory_space<hbm>> -> memref<128x128xf32, #tpu.memory_space<hbm>>
    %dma_wait3A_429 = arith.constant 0 : i32
    %dma_wait3A_430 = tpu.memref_slice %arg7[%add3A_313, %dma_wait3A_429] : memref<16384x128xf32, #tpu.memory_space<hbm>> -> memref<128x128xf32, #tpu.memory_space<hbm>>
    tpu.wait_dma2 semaphore(%arg29 : memref<!tpu.dma_semaphore, #tpu.memory_space<semaphore_mem>>) src(%arg14 : memref<128x128xf32, #tpu.memory_space<vmem>>) dst(%dma_wait3A_430 : memref<128x128xf32, #tpu.memory_space<hbm>>)
    %dma_wait3A_431 = arith.constant 0 : i32
    %dma_wait3A_432 = tpu.memref_slice %arg7[%add3A_326, %dma_wait3A_431] : memref<16384x128xf32, #tpu.memory_space<hbm>> -> memref<128x128xf32, #tpu.memory_space<hbm>>
    %dma_wait3A_433 = arith.constant 0 : i32
    %dma_wait3A_434 = tpu.memref_slice %arg7[%add3A_326, %dma_wait3A_433] : memref<16384x128xf32, #tpu.memory_space<hbm>> -> memref<128x128xf32, #tpu.memory_space<hbm>>
    tpu.wait_dma2 semaphore(%arg30 : memref<!tpu.dma_semaphore, #tpu.memory_space<semaphore_mem>>) src(%arg15 : memref<128x128xf32, #tpu.memory_space<vmem>>) dst(%dma_wait3A_434 : memref<128x128xf32, #tpu.memory_space<hbm>>)
    %dma_wait3A_435 = arith.constant 0 : i32
    %dma_wait3A_436 = tpu.memref_slice %arg8[%add3A_339, %dma_wait3A_435] : memref<16384x128xf32, #tpu.memory_space<hbm>> -> memref<128x128xf32, #tpu.memory_space<hbm>>
    %dma_wait3A_437 = arith.constant 0 : i32
    %dma_wait3A_438 = tpu.memref_slice %arg8[%add3A_339, %dma_wait3A_437] : memref<16384x128xf32, #tpu.memory_space<hbm>> -> memref<128x128xf32, #tpu.memory_space<hbm>>
    tpu.wait_dma2 semaphore(%arg31 : memref<!tpu.dma_semaphore, #tpu.memory_space<semaphore_mem>>) src(%arg16 : memref<128x128xf32, #tpu.memory_space<vmem>>) dst(%dma_wait3A_438 : memref<128x128xf32, #tpu.memory_space<hbm>>)
    %dma_wait3A_439 = arith.constant 0 : i32
    %dma_wait3A_440 = tpu.memref_slice %arg8[%add3A_352, %dma_wait3A_439] : memref<16384x128xf32, #tpu.memory_space<hbm>> -> memref<128x128xf32, #tpu.memory_space<hbm>>
    %dma_wait3A_441 = arith.constant 0 : i32
    %dma_wait3A_442 = tpu.memref_slice %arg8[%add3A_352, %dma_wait3A_441] : memref<16384x128xf32, #tpu.memory_space<hbm>> -> memref<128x128xf32, #tpu.memory_space<hbm>>
    tpu.wait_dma2 semaphore(%arg32 : memref<!tpu.dma_semaphore, #tpu.memory_space<semaphore_mem>>) src(%arg17 : memref<128x128xf32, #tpu.memory_space<vmem>>) dst(%dma_wait3A_442 : memref<128x128xf32, #tpu.memory_space<hbm>>)
    %dma_wait3A_443 = arith.constant 0 : i32
    %dma_wait3A_444 = tpu.memref_slice %arg8[%add3A_365, %dma_wait3A_443] : memref<16384x128xf32, #tpu.memory_space<hbm>> -> memref<128x128xf32, #tpu.memory_space<hbm>>
    %dma_wait3A_445 = arith.constant 0 : i32
    %dma_wait3A_446 = tpu.memref_slice %arg8[%add3A_365, %dma_wait3A_445] : memref<16384x128xf32, #tpu.memory_space<hbm>> -> memref<128x128xf32, #tpu.memory_space<hbm>>
    tpu.wait_dma2 semaphore(%arg33 : memref<!tpu.dma_semaphore, #tpu.memory_space<semaphore_mem>>) src(%arg18 : memref<128x128xf32, #tpu.memory_space<vmem>>) dst(%dma_wait3A_446 : memref<128x128xf32, #tpu.memory_space<hbm>>)
    %dma_wait3A_447 = arith.constant 0 : i32
    %dma_wait3A_448 = tpu.memref_slice %arg8[%add3A_378, %dma_wait3A_447] : memref<16384x128xf32, #tpu.memory_space<hbm>> -> memref<128x128xf32, #tpu.memory_space<hbm>>
    %dma_wait3A_449 = arith.constant 0 : i32
    %dma_wait3A_450 = tpu.memref_slice %arg8[%add3A_378, %dma_wait3A_449] : memref<16384x128xf32, #tpu.memory_space<hbm>> -> memref<128x128xf32, #tpu.memory_space<hbm>>
    tpu.wait_dma2 semaphore(%arg27 : memref<!tpu.dma_semaphore, #tpu.memory_space<semaphore_mem>>) src(%arg12 : memref<128x128xf32, #tpu.memory_space<vmem>>) dst(%dma_wait3A_450 : memref<128x128xf32, #tpu.memory_space<hbm>>)
    return
  }
}

</mosaic_0001>

<sc_bundles>
// kernel: _sc_gather.3.cloned.1.call-start
scs
__scs_entry_jumppad:
0x0: {  	(pc) =	sbr.rel $0x88, $3  }
0x1: {  	(tag) =	ssettag $0x0;
	lr =	simm.s32 $0x1  }
0x2: {  	[smem:$0x3F9C] =	sst lr;
	_ =	strace $0xD0000000  }
0x3: {  	_ = 	snop  }
0x4: {  	_ = 	snop  }
0x5: {  	_ = 	snop  }
0x6: {  	_ = 	snop  }
0x7: {  	_ = 	snop  }
__scs_overlays_trampoline_lowered:
0x8: {  	[smem:$0x3FAB] =	sst s0  }
0x9: {  	[smem:$0x3FAC] =	sst s1  }
0xa: {  	[smem:$0x3FAD] =	sst s2  }
0xb: {  	[smem:$0x3FAE] =	sst s3  }
0xc: {  	[smem:$0x3FAF] =	sst s4  }
0xd: {  	[smem:$0x3FB0] =	sst s5  }
0xe: {  	[smem:$0x3FB1] =	sst s6  }
0xf: {  	[smem:$0x3FB2] =	sst s7  }
0x10: {  	[smem:$0x3FB3] =	sst s8  }
0x11: {  	[smem:$0x3FB4] =	sst s9;
	s0 =	simm.s32 @!p0 $0x0  }
0x12: {  	s1 =	sld [smem:$0x3F9A];
	s0 =	simm.s32 @p0 $0x1  }
0x13: {  	[smem:$0x3FB5] =	sst s0;
	s0 =	simm.s32 @!p1 $0x0  }
0x14: {  	s2 =	sld [smem:$0x3F99];
	s0 =	simm.s32 @p1 $0x1  }
0x15: {  	[smem:$0x3FB6] =	sst s0;
	s0 =	simm.s32 @!p2 $0x0  }
0x16: {  	s3 =	sld [smem:$0x3FDB];
	s0 =	simm.s32 @p2 $0x1  }
0x17: {  	s4 =	simm.s32 $0x1BF5;
	[smem:$0x3FB8] =	sst s0  }
0x18: {  	s0 =	sld [smem:$0x3F9B];
	_ =	swait.ge [sflag:s4], $0x0  }
0x19: {  	s7 =	sld [smem:$0x3F9C]  }
0x1a: {  	s8 =	sadd.s32 $0xFFFFE003, lr  }
0x1b: {  	s9 =	sadd.s32 $0xFFFFFEF7, lr;
	s5 =	simm.s32 $0xFFFFFFFF;
	p2 =	slt.u32 s8, $0xFFFFF086  }
0x1c: {  	p1 =	slt.u32 s9, $0xF7A;
	s5 =	simm.s32 @!p2 $0x0  }
0x1d: {  	s5 =	simm.s32 @p1 $0x1;
	p0 =	seq.s32 s7, s2  }
0x1e: {  	s7 =	smul.u32 @!p0 $0xF7A, s2;
	p2 =	seq.s32 @!p0 s5, $0x0  }
0x1f: {  	s9 =	smul.u32 $0xF7A, s1;
	s8 =	simm.s32 @!p0 $0x1BF5;
	p2 =	por !p2, p0  }
0x20: {  	[sflag:s8] =	ssyncset.s32 @!p0 $0xFFFFF086;
	s6 =	sadd.s32 @!p0 s3, s7;
	s7 =	simm.s32 @!p0 $0x108  }
0x21: {  	s3 =	sadd.s32 s3, s9;
	s6 =	sadd.s32 @!p0 $0x88, s6;
	s7 =	simm.s32 @p2 $0x1082  }
0x22: {  	[simem:s7], [sflag:s8] =	dma.local @!p0 [hbm:s6], $0xF7A  }
0x23: {  	s9 =	sor.u32 $0xD0000000, s2;
	s6 =	simm.s32 $0x108;
	_ =	swait.ge @!p0 [sflag:s8], $0x0  }
0x24: {  	s3 =	sadd.s32 $0x88, s3;
	s6 =	simm.s32 @!p1 $0x1082;
	[sflag:s4] =	ssyncset.s32 $0xFFFFF086  }
0x25: {  	[simem:s6], [sflag:s4] =	dma.local [hbm:s3], $0xF7A  }
0x26: {  	[smem:$0x3F9C] =	sst s1;
	(tag) =	ssettag s2;
	_ =	strace s9  }
0x27: {  	s1 =	sld [smem:$0x3FAC]  }
0x28: {  	s2 =	sld [smem:$0x3FAD]  }
0x29: {  	s4 =	sld [smem:$0x3FAF]  }
0x2a: {  	p0 =	seq.s32 s5, $0x0;
	s5 =	sld [smem:$0x3FB0]  }
0x2b: {  	s6 =	sld [smem:$0x3FB1]  }
0x2c: {  	s7 =	sld [smem:$0x3FB2]  }
0x2d: {  	s3 =	simm.s32 $0x108;
	s8 =	sld [smem:$0x3FB3]  }
0x2e: {  	s3 =	simm.s32 @!p0 $0x1082;
	s9 =	sld [smem:$0x3FB4]  }
0x2f: {  	lr =	sadd.s32 s0, s3;
	s0 =	sld [smem:$0x3FAB]  }
0x30: {  	s3 =	sld [smem:$0x3FAE]  }
0x31: {  	[smem:$0x3FB7] =	sst s10  }
0x32: {  	s10 =	sld [smem:$0x3FB5];
	_ =	sdelay $0x3  }
0x33: {  	p0 =	seq.s32 s10, $0x1;
	s10 =	sld [smem:$0x3FB7];
	_ =	sdelay $0x3  }
0x34: {  	[smem:$0x3FB7] =	sst s10  }
0x35: {  	s10 =	sld [smem:$0x3FB6];
	_ =	sdelay $0x3  }
0x36: {  	p1 =	seq.s32 s10, $0x1;
	s10 =	sld [smem:$0x3FB7];
	_ =	sdelay $0x3  }
0x37: {  	[smem:$0x3FB7] =	sst s10  }
0x38: {  	s10 =	sld [smem:$0x3FB8]  }
0x39: {  	_ = 	snop;
	(pc) =	sbr.ind lr, $3  }
0x3a: {  	_ = 	snop  }
0x3b: {  	_ = 	snop  }
0x3c: {  	p2 =	seq.s32 s10, $0x1;
	s10 =	sld [smem:$0x3FB7]  }
0x3d: {  	_ =	shalt  }
0x3e: {  	_ =	shalt  }
0x3f: {  	_ =	shalt  }
0x40: {  	_ =	shalt  }
0x41: {  	_ =	shalt  }
0x42: {  	_ =	shalt  }
0x43: {  	_ =	shalt  }
0x44: {  	_ =	shalt  }
0x45: {  	_ =	shalt  }
0x46: {  	_ =	shalt  }
0x47: {  	_ =	shalt  }
0x48: {  	_ =	shalt  }
0x49: {  	_ =	shalt  }
0x4a: {  	_ =	shalt  }
0x4b: {  	_ =	shalt  }
0x4c: {  	_ =	shalt  }
0x4d: {  	_ =	shalt  }
0x4e: {  	_ =	shalt  }
0x4f: {  	_ =	shalt  }
0x50: {  	_ =	shalt  }
0x51: {  	_ =	shalt  }
0x52: {  	_ =	shalt  }
0x53: {  	_ =	shalt  }
0x54: {  	_ =	shalt  }
0x55: {  	_ =	shalt  }
0x56: {  	_ =	shalt  }
0x57: {  	_ =	shalt  }
0x58: {  	_ =	shalt  }
0x59: {  	_ =	shalt  }
0x5a: {  	_ =	shalt  }
0x5b: {  	_ =	shalt  }
0x5c: {  	_ =	shalt  }
0x5d: {  	_ =	shalt  }
0x5e: {  	_ =	shalt  }
0x5f: {  	_ =	shalt  }
0x60: {  	_ =	shalt  }
0x61: {  	_ =	shalt  }
0x62: {  	_ =	shalt  }
0x63: {  	_ =	shalt  }
0x64: {  	_ =	shalt  }
0x65: {  	_ =	shalt  }
0x66: {  	_ =	shalt  }
0x67: {  	_ =	shalt  }
0x68: {  	_ =	shalt  }
0x69: {  	_ =	shalt  }
0x6a: {  	_ =	shalt  }
0x6b: {  	_ =	shalt  }
0x6c: {  	_ =	shalt  }
0x6d: {  	_ =	shalt  }
0x6e: {  	_ =	shalt  }
0x6f: {  	_ =	shalt  }
0x70: {  	_ =	shalt  }
0x71: {  	_ =	shalt  }
0x72: {  	_ =	shalt  }
0x73: {  	_ =	shalt  }
0x74: {  	_ =	shalt  }
0x75: {  	_ =	shalt  }
0x76: {  	_ =	shalt  }
0x77: {  	_ =	shalt  }
0x78: {  	_ =	shalt  }
0x79: {  	_ =	shalt  }
0x7a: {  	_ =	shalt  }
0x7b: {  	_ =	shalt  }
0x7c: {  	_ =	shalt  }
0x7d: {  	_ =	shalt  }
0x7e: {  	_ =	shalt  }
0x7f: {  	_ =	shalt  }
0x80: {  	_ =	shalt  }
0x81: {  	_ =	shalt  }
0x82: {  	_ =	shalt  }
0x83: {  	_ =	shalt  }
0x84: {  	_ =	shalt  }
0x85: {  	_ =	shalt  }
0x86: {  	_ =	shalt  }
0x87: {  	_ =	shalt  }
.Lfunc_end0:
.L_simem_size_0:
called_computation_lowered:
.L_overlay_start_0:
0x88: {  	s2 =	sld [smem:$0x3FD9]  }
0x89: {  	s3 =	sld [smem:$0x3FFE];
	_ =	sdelay $0x1  }
0x8a: {  	s1 =	srdreg.scid  }
0x8b: {  	s0 =	sand.u32 $0x1, s1  }
0x8c: {  	s15 =	sshll.u32 s0, $0xA;
	s2 =	sadd.s32 s3, s2  }
0x8d: {  	s2 =	sadd.s32 s2, s15  }
0x8e: {  	[smem:$0x3FC3] =	sst s2  }
0x8f: {  	_ = 	snop  }
0x90: {  	s2 =	sld [smem:$0x3FC9]  }
0x91: {  	s16 =	sld [smem:$0x3FC8]  }
0x92: {  	s4 =	sld [smem:$0x3FD0]  }
0x93: {  	s5 =	sld [smem:$0x3FC7]  }
0x94: {  	s6 =	sld [smem:$0x3FC6]  }
0x95: {  	s8 =	simm.s32 $0xA;
	s9 =	simm.s32 $0x10;
	s7 =	sld [smem:$0x3FC5]  }
0x96: {  	[smem:s9], [sflag:s8] =	dma.local [hbm:s4], $0x1  }
0x97: {  	_ =	swait.eq [sflag:s8], $0x1  }
0x98: {  	s17 =	sld [smem:$0x10];
	[sflag:s8] =	ssyncset.done $0x0  }
0x99: {  	s18 =	sld [smem:$0x11];
	[sflag:s8] =	ssyncadd.s32 $0xFFFFFFFF  }
0x9a: {  	s19 =	sld [smem:$0x12];
	(tm) =	ssettm $0x1  }
0x9b: {  	s10 =	sld [smem:$0x3FFB];
	_ =	sdelay $0x3  }
0x9c: {  	_ =	strace s10  }
0x9d: {  	s10 =	sld [smem:$0x3FFC];
	_ =	sdelay $0x3  }
0x9e: {  	_ =	strace s10  }
0x9f: {  	s10 =	sld [smem:$0x3FFD];
	_ =	sdelay $0x3  }
0xa0: {  	_ =	strace s10  }
0xa1: {  	_ =	strace $0x8FFFFFFF  }
0xa2: {  	s20 =	sld [smem:$0x3FDB];
	_ =	sdelay $0x1  }
0xa3: {  	s11 =	simm.s32 $_scs_section_size  }
0xa4: {  	s12 =	simm.s32 $_size__tile_overlayer_lowered;
	s13 =	simm.s32 $_tile_overlayer_lowered  }
0xa5: {  	s23 =	simm.s32 $0x1BFF;
	s22 =	sshll.u32 s13, $0x1;
	s10 =	sadd.s32 s11, s20  }
0xa6: {  	s14 =	simm.s32 $0x0;
	s21 =	sshll.u32 s12, $0x1;
	s12 =	sadd.s32 s22, s10  }
0xa7: {  	[timem:s14], [sflag:s23] =	dma.local [hbm:s12], s21  }
0xa8: {  	_ =	swait.ge [sflag:s23], s21  }
0xa9: {  	s11 =	ssub.s32 $0x0, s21;
	[sflag:s23] =	ssyncset.done $0x0  }
0xaa: {  	[sflag:s23] =	ssyncadd.s32 s11;
	_ =	sdelay $0x1  }
0xab: {  	s24 =	simm.s32 $0x1B8B  }
0xac: {  	_ =	swait.ge [sflag:s24], $0x1  }
0xad: {  	[sflag:s24] =	ssyncset.done $0x0  }
0xae: {  	s25 =	simm.s32 $0x1B8E;
	[sflag:s24] =	ssyncadd.s32 $0xFFFFFFFF  }
0xaf: {  	s26 =	simm.s32 $execute0_lowered;
	[smem:$0x3FD2] =	sst s25  }
0xb0: {  	s11 =	sshll.u32 s26, $0x1;
	_ =	strace $0x80000046;
	[dreg:$0x1] =	wrdreg $0xFFFFFFFF  }
0xb1: {  	s28 =	simm.s32 $_size_execute0_lowered;
	s10 =	sadd.s32 s10, s11;
	[dreg:$0x0] =	wrdreg $0x0  }
0xb2: {  	s11 =	sshll.u32 s28, $0x1;
	[dreg:$0x2] =	wrdreg s10  }
0xb3: {  	[dreg:$0x3] =	wrdreg s11  }
0xb4: {  	[dreg:$0x4] =	wrdreg $0xC0  }
0xb5: {  	_ =	task [dreg:s14], $0x5FFFF  }
0xb6: {  	[dreg:$0x1] =	wrdreg $0xFFFFFFFF  }
0xb7: {  	[dreg:$0x0] =	wrdreg $0x60  }
0xb8: {  	[dreg:$0x2] =	wrdreg s2  }
0xb9: {  	[dreg:$0x3] =	wrdreg s16  }
0xba: {  	[dreg:$0x4] =	wrdreg s5  }
0xbb: {  	[dreg:$0x5] =	wrdreg s6  }
0xbc: {  	[dreg:$0x6] =	wrdreg s7  }
0xbd: {  	[dreg:$0x7] =	wrdreg s17  }
0xbe: {  	[dreg:$0x8] =	wrdreg s18  }
0xbf: {  	[dreg:$0x9] =	wrdreg s19  }
0xc0: {  	[dreg:$0xa] =	wrdreg $0x9  }
0xc1: {  	_ =	task.clear_ibuf [dreg:s14], $0xBFFFF;
	_ =	strace $0x90000046  }
0xc2: {  	s29 =	simm.s32 $0x9;
	_ =	strace $0x80000048  }
0xc3: {  	_ =	swait.ge [sflag:s29], $0x1  }
0xc4: {  	[sflag:s29] =	ssyncadd.s32 $0xFFFFFFFF  }
0xc5: {  	_ =	strace $0x90000048  }
0xc6: {  	_ =	sfence  }
0xc7: {  	s30 =	sld [smem:$0x0];
	_ =	sdelay $0x2  }
0xc8: {  	s31 =	sshll.u32 s1, $0xD;
	s1 =	sshrl.u32 s1, $0x2  }
0xc9: {  	s3 =	sand.u32 $0x4000, s31;
	s1 =	sadd.s32 s1, s30  }
0xca: {  	s0 =	sor.u32 s3, s0;
	s1 =	sshll.u32 s1, $0x11  }
0xcb: {  	s0 =	sor.u32 s1, s0  }
0xcc: {  	s0 =	sadd.s32 $0x8F2B, s0  }
0xcd: {  	[sflag:s0] =	ssyncadd.remote.s32 $0x1  }
0xce: {  	_ =	sfence.sel $0xFFFF  }
0xcf: {  	[dreg:$0x0] =	wrdreg $0xFFFFFFFF;
	(pc) =	sbr.abs _section_cstart, $3  }
0xd0: {  	[dreg:$0x1] =	wrdreg $0xFFFFFFFF  }
0xd1: {  	_ =	task.clear_ibuf [dreg:s14], $0x2FFFF;
	_ =	strace $0x9FFFFFFF  }
0xd2: {  	(tm) =	ssettm $0x7FFFFFFF  }
0xd3: {  	_ =	shalt  }
tec
execute0_lowered:
.L_overlay_start_1:
0x0: {  	(tag) =	ssettag $0x1  }
0x1: {  	s0 =	rddreg [dreg:$0x0]  }
0x2: {  	s1 =	rddreg [dreg:$0x1]  }
0x3: {  	s5 =	rddreg [dreg:$0x2]  }
0x4: {  	s3 =	rddreg [dreg:$0x3]  }
0x5: {  	s4 =	rddreg [dreg:$0x4]  }
0x6: {  	s6 =	rddreg [dreg:$0x5]  }
0x7: {  	s7 =	rddreg [dreg:$0x6]  }
0x8: {  	s2 =	srdreg.scid;
	s10 =	stileid.u32  }
0x9: {  	s8 =	rddreg [dreg:$0x7];
	s30 =	simm.s32 $0x200;
	s31 =	simm.s32 $0x280  }
0xa: {  	p0 =	por $0x0, $0x0;
	s9 =	sand.u32 $0x1, s2;
	s10 =	sshll.u32 s10, $0x1  }
0xb: {  	s29 =	simm.s32 $0x5;
	s2 =	simm.s32 $0x0;
	s10 =	sor.u32 s9, s10  }
0xc: {  	s28 =	simm.s32 $0x6;
	[smem:$0x7FF] =	sst s2;
	s12 =	sshll.u32 s10, $0x6  }
0xd: {  	s11 =	sshll.u32 s10, $0x9;
	_ =	strace $0x80000047;
	s13 =	sadd.s32 s0, s12  }
0xe: {  	s14 =	sor.u32 $0x80, s11;
	s12 =	sadd.s32 s1, s12;
	s15 =	sor.u32 $0x100, s11  }
0xf: {  	s16 =	sor.u32 $0x180, s11;
	[dreg:$0x9] =	wrdreg s13;
	s20 =	sshrl.u32 s14, $0x3  }
0x10: {  	[dreg:$0xa] =	wrdreg s12;
	s23 =	sshrl.u32 s15, $0x3;
	s21 =	sadd.s32 s0, s20  }
0x11: {  	s26 =	sshrl.u32 s16, $0x3;
	s22 =	sadd.s32 s1, s20;
	[dreg:$0xb] =	wrdreg s21  }
0x12: {  	s13 =	sshll.u32 s10, $0xD;
	s24 =	sadd.s32 s0, s23;
	[dreg:$0xc] =	wrdreg s22  }
0x13: {  	s18 =	sshll.u32 s14, $0x4;
	s25 =	sadd.s32 s1, s23;
	[dreg:$0xd] =	wrdreg s24  }
0x14: {  	s14 =	simm.s32 $0xA;
	s0 =	sadd.s32 s0, s26;
	[dreg:$0xe] =	wrdreg s25  }
0x15: {  	s12 =	sadd.s32 s1, s26;
	s17 =	sadd.s32 s6, s13;
	[dreg:$0xf] =	wrdreg s0  }
0x16: {  	s19 =	sadd.s32 s6, s18;
	s20 =	sshll.u32 s15, $0x4;
	[dreg:$0x10] =	wrdreg s12  }
0x17: {  	s23 =	ssub.s32 $0x2, s9;
	s26 =	sadd.s32 s7, s13;
	[dreg:$0x11] =	wrdreg s17  }
0x18: {  	s1 =	sadd.s32 s7, s18;
	s18 =	simm.s32 $0x1;
	[dreg:$0x12] =	wrdreg s19  }
0x19: {  	s21 =	sadd.s32 s6, s20;
	s22 =	sshll.u32 s16, $0x4;
	[dreg:$0x15] =	wrdreg s26  }
0x1a: {  	s25 =	sshll.u32 s9, $0x9;
	s9 =	sand.u32 $0x3C00, s11;
	[dreg:$0x16] =	wrdreg s1  }
0x1b: {  	s10 =	sadd.s32 s7, s20;
	s12 =	sshrl.u32 s23, $0x1;
	s26 =	simm.s32 $0x380  }
0x1c: {  	s19 =	simm.s32 $0x4400;
	s20 =	simm.s32 $0x8400;
	s17 =	simm.s32 $0x2  }
0x1d: {  	s0 =	simm.s32 $0x4;
	[dreg:$0x13] =	wrdreg s21;
	s24 =	sadd.s32 s6, s22  }
0x1e: {  	s1 =	sor.u32 s25, s9;
	[dreg:$0x17] =	wrdreg s10;
	s11 =	sadd.s32 s7, s22  }
0x1f: {  	s15 =	ssub.s32 s23, s12;
	s23 =	simm.s32 $0x80;
	s7 =	simm.s32 $0xF  }
0x20: {  	s25 =	simm.s32 $0xC400;
	s21 =	simm.s32 $0x1C480;
	s22 =	simm.s32 $0x1C500  }
0x21: {  	s6 =	simm.s32 $0x8;
	s9 =	simm.s32 $0x3;
	s12 =	simm.s32 $0xC  }
0x22: {  	s10 =	simm.s32 $0xD;
	[dreg:$0x14] =	wrdreg s24;
	s16 =	smax.u32 s15, $0x1  }
0x23: {  	s1 =	sshrl.u32 s1, $0x3;
	[dreg:$0x18] =	wrdreg s11;
	p1 =	sne.s32 s16, $0x1  }
.Ltmp0:
0x24: {  	s11 =	simm.s32 $0x400;
	[dreg:$0x1a] =	wrdreg s21;
	(pc) =	sbr.rel @!p1 .LBB2_3-.Ltmp0, $4  }
0x25: {  	[dreg:$0x1b] =	wrdreg s22;
	s24 =	simm.s32 $0x1C580;
	s15 =	simm.s32 $0x9  }
0x26: {  	s22 =	rddreg [dreg:$0x9];
	s13 =	sadd.s32 s8, s1;
	s1 =	simm.s32 $0x300  }
0x27: {  	[dreg:$0x1c] =	wrdreg s24;
	s8 =	sadd.s32 $0xFFFFFFFF, s16;
	s24 =	simm.s32 $0x7  }
0x28: {  	s16 =	simm.s32 $0x10;
	[dreg:$0x19] =	wrdreg s13;
	s13 =	simm.s32 $0xB  }
0x29: {  	s21 =	rddreg [dreg:$0xa]  }
0x2a: {  	[tilespmem:s2], [sflag:$0xF] =	stream.linear.gather [hbm4b:s22+s2], $0x80, $0x38;
	[tilespmem:$0x1C600] =	vst v63  }
0x2b: {  	s10 =	rddreg [dreg:$0xb]  }
0x2c: {  	[tilespmem:s30], [sflag:$0xF] =	stream.linear.gather [hbm4b:s21+s2], $0x80, $0x38;
	[tilespmem:$0x1C600] =	vst v63  }
0x2d: {  	s14 =	rddreg [dreg:$0xc]  }
0x2e: {  	[tilespmem:s23], [sflag:$0xF] =	stream.linear.gather [hbm4b:s10+s2], $0x80, $0x38;
	[tilespmem:$0x1C600] =	vst v63  }
0x2f: {  	s15 =	rddreg [dreg:$0xd]  }
0x30: {  	[tilespmem:s31], [sflag:$0xF] =	stream.linear.gather [hbm4b:s14+s2], $0x80, $0x38;
	[tilespmem:$0x1C600] =	vst v63  }
0x31: {  	s16 =	rddreg [dreg:$0xe];
	s10 =	simm.s32 $0x100  }
0x32: {  	[tilespmem:s10], [sflag:$0xF] =	stream.linear.gather [hbm4b:s15+s2], $0x80, $0x38;
	[tilespmem:$0x1C600] =	vst v63  }
0x33: {  	[dreg:$0x1d] =	wrdreg s8  }
0x34: {  	[tilespmem:s1], [sflag:$0xF] =	stream.linear.gather [hbm4b:s16+s2], $0x80, $0x38;
	[tilespmem:$0x1C600] =	vst v63  }
0x35: {  	s14 =	rddreg [dreg:$0xf];
	s16 =	simm.s32 $0x180  }
0x36: {  	[tilespmem:s16], [sflag:$0xF] =	stream.linear.gather [hbm4b:s14+s2], $0x80, $0x38;
	[tilespmem:$0x1C600] =	vst v63  }
0x37: {  	s15 =	rddreg [dreg:$0x10]  }
0x38: {  	[tilespmem:s26], [sflag:$0xF] =	stream.linear.gather [hbm4b:s15+s2], $0x80, $0x38;
	[tilespmem:$0x1C600] =	vst v63  }
0x39: {  	_ =	swait.ge [sflag:s7], $0x80  }
0x3a: {  	[sflag:s7] =	ssyncset.done $0x0  }
0x3b: {  	[sflag:s7] =	ssyncadd.s32 $0xFFFFFF80  }
0x3c: {  	_ =	swait.ge [sflag:s7], $0x80  }
0x3d: {  	[sflag:s7] =	ssyncset.done $0x0  }
0x3e: {  	[sflag:s7] =	ssyncadd.s32 $0xFFFFFF80  }
0x3f: {  	_ =	swait.ge [sflag:s7], $0x80  }
0x40: {  	[sflag:s7] =	ssyncset.done $0x0  }
0x41: {  	[sflag:s7] =	ssyncadd.s32 $0xFFFFFF80  }
0x42: {  	_ =	swait.ge [sflag:s7], $0x80  }
0x43: {  	[sflag:s7] =	ssyncset.done $0x0  }
0x44: {  	[sflag:s7] =	ssyncadd.s32 $0xFFFFFF80  }
0x45: {  	_ =	swait.ge [sflag:s7], $0x80  }
0x46: {  	[sflag:s7] =	ssyncset.done $0x0  }
0x47: {  	[sflag:s7] =	ssyncadd.s32 $0xFFFFFF80  }
0x48: {  	_ =	swait.ge [sflag:s7], $0x80  }
0x49: {  	[sflag:s7] =	ssyncset.done $0x0  }
0x4a: {  	[sflag:s7] =	ssyncadd.s32 $0xFFFFFF80  }
0x4b: {  	_ =	swait.ge [sflag:s7], $0x80  }
0x4c: {  	[sflag:s7] =	ssyncset.done $0x0  }
0x4d: {  	[sflag:s7] =	ssyncadd.s32 $0xFFFFFF80  }
0x4e: {  	_ =	swait.ge [sflag:s7], $0x80  }
0x4f: {  	[sflag:s7] =	ssyncset.done $0x0  }
0x50: {  	[sflag:s7] =	ssyncadd.s32 $0xFFFFFF80  }
0x51: {  	[tilespmem:s11], [sflag:$0x1] =	stream.indirect.gather [hbm4b:s5+s23], $0x80, s2, s23, $0xb8;
	[tilespmem:$0x1C600] =	vst v63  }
0x52: {  	_ = 	snop  }
0x53: {  	[tilespmem:s19], [sflag:$0x2] =	stream.indirect.gather [hbm4b:s5+s23], $0x80, s23, s23, $0xb8;
	[tilespmem:$0x1C600] =	vst v63  }
0x54: {  	_ = 	snop  }
0x55: {  	[tilespmem:s20], [sflag:$0x3] =	stream.indirect.gather [hbm4b:s5+s23], $0x80, s10, s23, $0xb8;
	[tilespmem:$0x1C600] =	vst v63  }
0x56: {  	_ = 	snop  }
0x57: {  	[tilespmem:s25], [sflag:$0x4] =	stream.indirect.gather [hbm4b:s5+s23], $0x80, s16, s23, $0xb8;
	[tilespmem:$0x1C600] =	vst v63  }
0x58: {  	s8 =	simm.s32 $0x10400  }
0x59: {  	[tilespmem:s8], [sflag:$0x5] =	stream.indirect.gather [hbm4b:s3+s23], $0x80, s30, s23, $0xb8;
	[tilespmem:$0x1C600] =	vst v63  }
0x5a: {  	s14 =	simm.s32 $0x14400  }
0x5b: {  	[tilespmem:s14], [sflag:$0x6] =	stream.indirect.gather [hbm4b:s3+s23], $0x80, s31, s23, $0xb8;
	[tilespmem:$0x1C600] =	vst v63  }
0x5c: {  	s15 =	simm.s32 $0x18400  }
0x5d: {  	[tilespmem:s15], [sflag:$0x7] =	stream.indirect.gather [hbm4b:s3+s23], $0x80, s1, s23, $0xb8;
	[tilespmem:$0x1C600] =	vst v63  }
0x5e: {  	s16 =	simm.s32 $0x1C400  }
0x5f: {  	[tilespmem:s16], [sflag:$0xF] =	stream.indirect.gather [hbm4b:s4+s23], $0x1, s30, s23, $0xb8;
	[tilespmem:$0x1C600] =	vst v63  }
0x60: {  	s21 =	rddreg [dreg:$0x1a]  }
0x61: {  	[tilespmem:s21], [sflag:$0xF] =	stream.indirect.gather [hbm4b:s4+s23], $0x1, s31, s23, $0xb8;
	[tilespmem:$0x1C600] =	vst v63  }
0x62: {  	s22 =	rddreg [dreg:$0x1b]  }
0x63: {  	[tilespmem:s22], [sflag:$0xF] =	stream.indirect.gather [hbm4b:s4+s23], $0x1, s1, s23, $0xb8;
	[tilespmem:$0x1C600] =	vst v63  }
0x64: {  	s21 =	rddreg [dreg:$0x1c]  }
0x65: {  	[tilespmem:s21], [sflag:$0xF] =	stream.indirect.gather [hbm4b:s4+s23], $0x1, s26, s23, $0xb8;
	[tilespmem:$0x1C600] =	vst v63  }
0x66: {  	_ =	swait.ge [sflag:s18], $0x4000  }
0x67: {  	[sflag:s18] =	ssyncset.done $0x0  }
0x68: {  	s22 =	rddreg [dreg:$0x11];
	[sflag:s18] =	ssyncadd.s32 $0xFFFFC000  }
0x69: {  	[hbm4b:s22+s2] =	stream.linear.scatter [tilespmem:s11], [sflag:$0x8], $0x4000, $0x38;
	[tilespmem:$0x1C600] =	vst v63  }
0x6a: {  	_ =	swait.ge [sflag:s6], $0x4000  }
0x6b: {  	[sflag:s6] =	ssyncset.done $0x0  }
0x6c: {  	[sflag:s6] =	ssyncadd.s32 $0xFFFFC000  }
0x6d: {  	[tilespmem:s11], [sflag:$0x1] =	stream.indirect.gather [hbm4b:s3+s23], $0x80, s26, s23, $0xb8;
	[tilespmem:$0x1C600] =	vst v63  }
0x6e: {  	_ =	swait.ge [sflag:s17], $0x4000  }
0x6f: {  	[sflag:s17] =	ssyncset.done $0x0  }
0x70: {  	s22 =	rddreg [dreg:$0x12];
	[sflag:s17] =	ssyncadd.s32 $0xFFFFC000  }
0x71: {  	[hbm4b:s22+s2] =	stream.linear.scatter [tilespmem:s19], [sflag:$0x9], $0x4000, $0x38;
	[tilespmem:$0x1C600] =	vst v63  }
0x72: {  	_ =	swait.ge [sflag:s9], $0x4000  }
0x73: {  	[sflag:s9] =	ssyncset.done $0x0  }
0x74: {  	s22 =	rddreg [dreg:$0x13];
	[sflag:s9] =	ssyncadd.s32 $0xFFFFC000  }
0x75: {  	[hbm4b:s22+s2] =	stream.linear.scatter [tilespmem:s20], [sflag:$0xA], $0x4000, $0x38;
	[tilespmem:$0x1C600] =	vst v63  }
0x76: {  	_ =	swait.ge [sflag:s0], $0x4000  }
0x77: {  	[sflag:s0] =	ssyncset.done $0x0  }
0x78: {  	s22 =	rddreg [dreg:$0x14];
	[sflag:s0] =	ssyncadd.s32 $0xFFFFC000  }
0x79: {  	[hbm4b:s22+s2] =	stream.linear.scatter [tilespmem:s25], [sflag:$0xB], $0x4000, $0x38;
	[tilespmem:$0x1C600] =	vst v63  }
0x7a: {  	_ =	swait.ge [sflag:s29], $0x4000  }
0x7b: {  	[sflag:s29] =	ssyncset.done $0x0  }
0x7c: {  	s22 =	rddreg [dreg:$0x15];
	[sflag:s29] =	ssyncadd.s32 $0xFFFFC000  }
0x7d: {  	[hbm4b:s22+s2] =	stream.linear.scatter [tilespmem:s8], [sflag:$0xC], $0x4000, $0x38;
	[tilespmem:$0x1C600] =	vst v63  }
0x7e: {  	_ =	swait.ge [sflag:s28], $0x4000  }
0x7f: {  	[sflag:s28] =	ssyncset.done $0x0  }
0x80: {  	s22 =	rddreg [dreg:$0x16];
	[sflag:s28] =	ssyncadd.s32 $0xFFFFC000  }
0x81: {  	[hbm4b:s22+s2] =	stream.linear.scatter [tilespmem:s14], [sflag:$0xD], $0x4000, $0x38;
	[tilespmem:$0x1C600] =	vst v63  }
0x82: {  	_ =	swait.ge [sflag:s24], $0x4000  }
0x83: {  	[sflag:s24] =	ssyncset.done $0x0  }
0x84: {  	s8 =	rddreg [dreg:$0x17];
	[sflag:s24] =	ssyncadd.s32 $0xFFFFC000  }
0x85: {  	[hbm4b:s8+s2] =	stream.linear.scatter [tilespmem:s15], [sflag:$0xE], $0x4000, $0x38;
	[tilespmem:$0x1C600] =	vst v63  }
0x86: {  	_ =	swait.ge [sflag:s18], $0x4000  }
0x87: {  	[sflag:s18] =	ssyncset.done $0x0  }
0x88: {  	s22 =	rddreg [dreg:$0x18];
	[sflag:s18] =	ssyncadd.s32 $0xFFFFC000  }
0x89: {  	[hbm4b:s22+s2] =	stream.linear.scatter [tilespmem:s11], [sflag:$0x8], $0x4000, $0x38;
	[tilespmem:$0x1C600] =	vst v63  }
0x8a: {  	_ =	swait.ge [sflag:s7], $0x80  }
0x8b: {  	[sflag:s7] =	ssyncset.done $0x0  }
0x8c: {  	[sflag:s7] =	ssyncadd.s32 $0xFFFFFF80  }
0x8d: {  	_ =	swait.ge [sflag:s7], $0x80  }
0x8e: {  	[sflag:s7] =	ssyncset.done $0x0  }
0x8f: {  	[sflag:s7] =	ssyncadd.s32 $0xFFFFFF80  }
0x90: {  	_ =	swait.ge [sflag:s7], $0x80  }
0x91: {  	[sflag:s7] =	ssyncset.done $0x0  }
0x92: {  	[sflag:s7] =	ssyncadd.s32 $0xFFFFFF80  }
0x93: {  	_ =	swait.ge [sflag:s7], $0x80  }
0x94: {  	[sflag:s7] =	ssyncset.done $0x0  }
0x95: {  	s8 =	rddreg [dreg:$0x19];
	[sflag:s7] =	ssyncadd.s32 $0xFFFFFF80  }
0x96: {  	[hbm4b:s8+s2] =	stream.linear.scatter [tilespmem:s16], [sflag:$0x10], $0x200, $0x38;
	[tilespmem:$0x1C600] =	vst v63  }
0x97: {  	s16 =	simm.s32 $0x10  }
0x98: {  	_ =	swait.ge [sflag:s16], $0x200  }
0x99: {  	[sflag:s16] =	ssyncset.done $0x0  }
0x9a: {  	s15 =	simm.s32 $0x9;
	[sflag:s16] =	ssyncadd.s32 $0xFFFFFE00  }
0x9b: {  	_ =	swait.ge [sflag:s15], $0x4000  }
0x9c: {  	[sflag:s15] =	ssyncset.done $0x0  }
0x9d: {  	s14 =	simm.s32 $0xA;
	[sflag:s15] =	ssyncadd.s32 $0xFFFFC000  }
0x9e: {  	_ =	swait.ge [sflag:s14], $0x4000  }
0x9f: {  	[sflag:s14] =	ssyncset.done $0x0  }
0xa0: {  	[sflag:s14] =	ssyncadd.s32 $0xFFFFC000  }
0xa1: {  	_ =	swait.ge [sflag:s13], $0x4000  }
0xa2: {  	[sflag:s13] =	ssyncset.done $0x0  }
0xa3: {  	[sflag:s13] =	ssyncadd.s32 $0xFFFFC000  }
0xa4: {  	_ =	swait.ge [sflag:s12], $0x4000  }
0xa5: {  	[sflag:s12] =	ssyncset.done $0x0  }
0xa6: {  	s10 =	simm.s32 $0xD;
	[sflag:s12] =	ssyncadd.s32 $0xFFFFC000  }
0xa7: {  	_ =	swait.ge [sflag:s10], $0x4000  }
0xa8: {  	[sflag:s10] =	ssyncset.done $0x0  }
0xa9: {  	s21 =	simm.s32 $0xE;
	[sflag:s10] =	ssyncadd.s32 $0xFFFFC000  }
0xaa: {  	_ =	swait.ge [sflag:s21], $0x4000  }
0xab: {  	s22 =	rddreg [dreg:$0x1d]  }
0xac: {  	p1 =	sne.s32 s22, $0x1  }
.Ltmp1:
0xad: {  	_ = 	snop;
	(pc) =	sbr.rel @!p1 .LBB2_3-.Ltmp1, $4  }
0xae: {  	[sflag:s21] =	ssyncset.done $0x0  }
0xaf: {  	[sflag:s21] =	ssyncadd.s32 $0xFFFFC000  }
0xb0: {  	p0 =	por $0x1, $0x1;
	_ =	swait.ge [sflag:s6], $0x4000  }
0xb1: {  	s21 =	sadd.s32 $0xFFFFFFFF, s22;
	s22 =	rddreg [dreg:$0x9];
	[sflag:s6] =	ssyncset.done $0x0  }
.LBB2_2:
0xb2: {  	[sflag:s6] =	ssyncadd.s32 $0xFFFFC000  }
0xb3: {  	[tilespmem:s2], [sflag:$0xF] =	stream.linear.gather [hbm4b:s22+s2], $0x80, $0x38;
	[tilespmem:$0x1C600] =	vst v63  }
0xb4: {  	s25 =	rddreg [dreg:$0xa]  }
0xb5: {  	[tilespmem:s30], [sflag:$0xF] =	stream.linear.gather [hbm4b:s25+s2], $0x80, $0x38;
	[tilespmem:$0x1C600] =	vst v63  }
0xb6: {  	s10 =	rddreg [dreg:$0xb]  }
0xb7: {  	[tilespmem:s23], [sflag:$0xF] =	stream.linear.gather [hbm4b:s10+s2], $0x80, $0x38;
	[tilespmem:$0x1C600] =	vst v63  }
0xb8: {  	s12 =	rddreg [dreg:$0xc]  }
0xb9: {  	[tilespmem:s31], [sflag:$0xF] =	stream.linear.gather [hbm4b:s12+s2], $0x80, $0x38;
	[tilespmem:$0x1C600] =	vst v63  }
0xba: {  	s13 =	rddreg [dreg:$0xd];
	s10 =	simm.s32 $0x100  }
0xbb: {  	[tilespmem:s10], [sflag:$0xF] =	stream.linear.gather [hbm4b:s13+s2], $0x80, $0x38;
	[tilespmem:$0x1C600] =	vst v63  }
0xbc: {  	s14 =	rddreg [dreg:$0xe]  }
0xbd: {  	[tilespmem:s1], [sflag:$0xF] =	stream.linear.gather [hbm4b:s14+s2], $0x80, $0x38;
	[tilespmem:$0x1C600] =	vst v63  }
0xbe: {  	s15 =	rddreg [dreg:$0xf];
	s12 =	simm.s32 $0x180  }
0xbf: {  	[tilespmem:s12], [sflag:$0xF] =	stream.linear.gather [hbm4b:s15+s2], $0x80, $0x38;
	[tilespmem:$0x1C600] =	vst v63  }
0xc0: {  	s16 =	rddreg [dreg:$0x10]  }
0xc1: {  	[tilespmem:s26], [sflag:$0xF] =	stream.linear.gather [hbm4b:s16+s2], $0x80, $0x38;
	[tilespmem:$0x1C600] =	vst v63  }
0xc2: {  	_ =	swait.ge [sflag:s7], $0x80  }
0xc3: {  	[sflag:s7] =	ssyncset.done $0x0  }
0xc4: {  	[sflag:s7] =	ssyncadd.s32 $0xFFFFFF80  }
0xc5: {  	_ =	swait.ge [sflag:s7], $0x80  }
0xc6: {  	[sflag:s7] =	ssyncset.done $0x0  }
0xc7: {  	[sflag:s7] =	ssyncadd.s32 $0xFFFFFF80  }
0xc8: {  	_ =	swait.ge [sflag:s7], $0x80  }
0xc9: {  	[sflag:s7] =	ssyncset.done $0x0  }
0xca: {  	[sflag:s7] =	ssyncadd.s32 $0xFFFFFF80  }
0xcb: {  	_ =	swait.ge [sflag:s7], $0x80  }
0xcc: {  	[sflag:s7] =	ssyncset.done $0x0  }
0xcd: {  	[sflag:s7] =	ssyncadd.s32 $0xFFFFFF80  }
0xce: {  	_ =	swait.ge [sflag:s7], $0x80  }
0xcf: {  	[sflag:s7] =	ssyncset.done $0x0  }
0xd0: {  	[sflag:s7] =	ssyncadd.s32 $0xFFFFFF80  }
0xd1: {  	_ =	swait.ge [sflag:s7], $0x80  }
0xd2: {  	[sflag:s7] =	ssyncset.done $0x0  }
0xd3: {  	[sflag:s7] =	ssyncadd.s32 $0xFFFFFF80  }
0xd4: {  	_ =	swait.ge [sflag:s7], $0x80  }
0xd5: {  	[sflag:s7] =	ssyncset.done $0x0  }
0xd6: {  	[sflag:s7] =	ssyncadd.s32 $0xFFFFFF80  }
0xd7: {  	_ =	swait.ge [sflag:s7], $0x80  }
0xd8: {  	[sflag:s7] =	ssyncset.done $0x0  }
0xd9: {  	[sflag:s7] =	ssyncadd.s32 $0xFFFFFF80  }
0xda: {  	[tilespmem:s11], [sflag:$0x1] =	stream.indirect.gather [hbm4b:s5+s23], $0x80, s2, s23, $0xb8;
	[tilespmem:$0x1C600] =	vst v63  }
0xdb: {  	s8 =	simm.s32 $0x4400  }
0xdc: {  	[tilespmem:s8], [sflag:$0x2] =	stream.indirect.gather [hbm4b:s5+s23], $0x80, s23, s23, $0xb8;
	[tilespmem:$0x1C600] =	vst v63  }
0xdd: {  	s19 =	simm.s32 $0x8400  }
0xde: {  	[tilespmem:s19], [sflag:$0x3] =	stream.indirect.gather [hbm4b:s5+s23], $0x80, s10, s23, $0xb8;
	[tilespmem:$0x1C600] =	vst v63  }
0xdf: {  	s20 =	simm.s32 $0xC400  }
0xe0: {  	[tilespmem:s20], [sflag:$0x4] =	stream.indirect.gather [hbm4b:s5+s23], $0x80, s12, s23, $0xb8;
	[tilespmem:$0x1C600] =	vst v63  }
0xe1: {  	s13 =	simm.s32 $0x10400  }
0xe2: {  	[tilespmem:s13], [sflag:$0x5] =	stream.indirect.gather [hbm4b:s3+s23], $0x80, s30, s23, $0xb8;
	[tilespmem:$0x1C600] =	vst v63  }
0xe3: {  	s14 =	simm.s32 $0x14400  }
0xe4: {  	[tilespmem:s14], [sflag:$0x6] =	stream.indirect.gather [hbm4b:s3+s23], $0x80, s31, s23, $0xb8;
	[tilespmem:$0x1C600] =	vst v63  }
0xe5: {  	s15 =	simm.s32 $0x18400  }
0xe6: {  	[tilespmem:s15], [sflag:$0x7] =	stream.indirect.gather [hbm4b:s3+s23], $0x80, s1, s23, $0xb8;
	[tilespmem:$0x1C600] =	vst v63  }
0xe7: {  	s16 =	simm.s32 $0x1C400  }
0xe8: {  	[tilespmem:s16], [sflag:$0xF] =	stream.indirect.gather [hbm4b:s4+s23], $0x1, s30, s23, $0xb8;
	[tilespmem:$0x1C600] =	vst v63  }
0xe9: {  	s22 =	rddreg [dreg:$0x1a]  }
0xea: {  	[tilespmem:s22], [sflag:$0xF] =	stream.indirect.gather [hbm4b:s4+s23], $0x1, s31, s23, $0xb8;
	[tilespmem:$0x1C600] =	vst v63  }
0xeb: {  	s25 =	rddreg [dreg:$0x1b]  }
0xec: {  	[tilespmem:s25], [sflag:$0xF] =	stream.indirect.gather [hbm4b:s4+s23], $0x1, s1, s23, $0xb8;
	[tilespmem:$0x1C600] =	vst v63  }
0xed: {  	s22 =	rddreg [dreg:$0x1c]  }
0xee: {  	[tilespmem:s22], [sflag:$0xF] =	stream.indirect.gather [hbm4b:s4+s23], $0x1, s26, s23, $0xb8;
	[tilespmem:$0x1C600] =	vst v63  }
0xef: {  	_ =	swait.ge [sflag:s18], $0x4000  }
0xf0: {  	[sflag:s18] =	ssyncset.done $0x0  }
0xf1: {  	s22 =	rddreg [dreg:$0x11];
	[sflag:s18] =	ssyncadd.s32 $0xFFFFC000  }
0xf2: {  	[hbm4b:s22+s2] =	stream.linear.scatter [tilespmem:s11], [sflag:$0x8], $0x4000, $0x38;
	[tilespmem:$0x1C600] =	vst v63  }
0xf3: {  	_ =	swait.ge [sflag:s6], $0x4000  }
0xf4: {  	[sflag:s6] =	ssyncset.done $0x0  }
0xf5: {  	[sflag:s6] =	ssyncadd.s32 $0xFFFFC000  }
0xf6: {  	[tilespmem:s11], [sflag:$0x1] =	stream.indirect.gather [hbm4b:s3+s23], $0x80, s26, s23, $0xb8;
	[tilespmem:$0x1C600] =	vst v63  }
0xf7: {  	_ =	swait.ge [sflag:s17], $0x4000  }
0xf8: {  	[sflag:s17] =	ssyncset.done $0x0  }
0xf9: {  	s19 =	simm.s32 $0x4400;
	s22 =	rddreg [dreg:$0x12];
	[sflag:s17] =	ssyncadd.s32 $0xFFFFC000  }
0xfa: {  	[hbm4b:s22+s2] =	stream.linear.scatter [tilespmem:s19], [sflag:$0x9], $0x4000, $0x38;
	[tilespmem:$0x1C600] =	vst v63  }
0xfb: {  	_ =	swait.ge [sflag:s9], $0x4000  }
0xfc: {  	[sflag:s9] =	ssyncset.done $0x0  }
0xfd: {  	s20 =	simm.s32 $0x8400;
	s22 =	rddreg [dreg:$0x13];
	[sflag:s9] =	ssyncadd.s32 $0xFFFFC000  }
0xfe: {  	[hbm4b:s22+s2] =	stream.linear.scatter [tilespmem:s20], [sflag:$0xA], $0x4000, $0x38;
	[tilespmem:$0x1C600] =	vst v63  }
0xff: {  	_ =	swait.ge [sflag:s0], $0x4000  }
0x100: {  	[sflag:s0] =	ssyncset.done $0x0  }
0x101: {  	s25 =	simm.s32 $0xC400;
	s22 =	rddreg [dreg:$0x14];
	[sflag:s0] =	ssyncadd.s32 $0xFFFFC000  }
0x102: {  	[hbm4b:s22+s2] =	stream.linear.scatter [tilespmem:s25], [sflag:$0xB], $0x4000, $0x38;
	[tilespmem:$0x1C600] =	vst v63  }
0x103: {  	_ =	swait.ge [sflag:s29], $0x4000  }
0x104: {  	[sflag:s29] =	ssyncset.done $0x0  }
0x105: {  	s22 =	rddreg [dreg:$0x15];
	[sflag:s29] =	ssyncadd.s32 $0xFFFFC000  }
0x106: {  	[hbm4b:s22+s2] =	stream.linear.scatter [tilespmem:s13], [sflag:$0xC], $0x4000, $0x38;
	[tilespmem:$0x1C600] =	vst v63  }
0x107: {  	_ =	swait.ge [sflag:s28], $0x4000  }
0x108: {  	[sflag:s28] =	ssyncset.done $0x0  }
0x109: {  	s22 =	rddreg [dreg:$0x16];
	[sflag:s28] =	ssyncadd.s32 $0xFFFFC000  }
0x10a: {  	[hbm4b:s22+s2] =	stream.linear.scatter [tilespmem:s14], [sflag:$0xD], $0x4000, $0x38;
	[tilespmem:$0x1C600] =	vst v63  }
0x10b: {  	_ =	swait.ge [sflag:s24], $0x4000  }
0x10c: {  	[sflag:s24] =	ssyncset.done $0x0  }
0x10d: {  	s22 =	rddreg [dreg:$0x17];
	[sflag:s24] =	ssyncadd.s32 $0xFFFFC000  }
0x10e: {  	[hbm4b:s22+s2] =	stream.linear.scatter [tilespmem:s15], [sflag:$0xE], $0x4000, $0x38;
	[tilespmem:$0x1C600] =	vst v63  }
0x10f: {  	_ =	swait.ge [sflag:s18], $0x4000  }
0x110: {  	[sflag:s18] =	ssyncset.done $0x0  }
0x111: {  	s22 =	rddreg [dreg:$0x18];
	[sflag:s18] =	ssyncadd.s32 $0xFFFFC000  }
0x112: {  	[hbm4b:s22+s2] =	stream.linear.scatter [tilespmem:s11], [sflag:$0x8], $0x4000, $0x38;
	[tilespmem:$0x1C600] =	vst v63  }
0x113: {  	_ =	swait.ge [sflag:s7], $0x80  }
0x114: {  	[sflag:s7] =	ssyncset.done $0x0  }
0x115: {  	[sflag:s7] =	ssyncadd.s32 $0xFFFFFF80  }
0x116: {  	_ =	swait.ge [sflag:s7], $0x80  }
0x117: {  	[sflag:s7] =	ssyncset.done $0x0  }
0x118: {  	[sflag:s7] =	ssyncadd.s32 $0xFFFFFF80  }
0x119: {  	_ =	swait.ge [sflag:s7], $0x80  }
0x11a: {  	[sflag:s7] =	ssyncset.done $0x0  }
0x11b: {  	[sflag:s7] =	ssyncadd.s32 $0xFFFFFF80  }
0x11c: {  	_ =	swait.ge [sflag:s7], $0x80  }
0x11d: {  	[sflag:s7] =	ssyncset.done $0x0  }
0x11e: {  	s22 =	rddreg [dreg:$0x19];
	[sflag:s7] =	ssyncadd.s32 $0xFFFFFF80  }
0x11f: {  	[hbm4b:s22+s2] =	stream.linear.scatter [tilespmem:s16], [sflag:$0x10], $0x200, $0x38;
	[tilespmem:$0x1C600] =	vst v63  }
0x120: {  	s16 =	simm.s32 $0x10  }
0x121: {  	_ =	swait.ge [sflag:s16], $0x200  }
0x122: {  	[sflag:s16] =	ssyncset.done $0x0  }
0x123: {  	s15 =	simm.s32 $0x9;
	[sflag:s16] =	ssyncadd.s32 $0xFFFFFE00  }
0x124: {  	_ =	swait.ge [sflag:s15], $0x4000  }
0x125: {  	[sflag:s15] =	ssyncset.done $0x0  }
0x126: {  	s14 =	simm.s32 $0xA;
	[sflag:s15] =	ssyncadd.s32 $0xFFFFC000  }
0x127: {  	_ =	swait.ge [sflag:s14], $0x4000  }
0x128: {  	[sflag:s14] =	ssyncset.done $0x0  }
0x129: {  	s13 =	simm.s32 $0xB;
	[sflag:s14] =	ssyncadd.s32 $0xFFFFC000  }
0x12a: {  	_ =	swait.ge [sflag:s13], $0x4000  }
0x12b: {  	[sflag:s13] =	ssyncset.done $0x0  }
0x12c: {  	s12 =	simm.s32 $0xC;
	[sflag:s13] =	ssyncadd.s32 $0xFFFFC000  }
0x12d: {  	_ =	swait.ge [sflag:s12], $0x4000  }
0x12e: {  	[sflag:s12] =	ssyncset.done $0x0  }
0x12f: {  	s10 =	simm.s32 $0xD;
	[sflag:s12] =	ssyncadd.s32 $0xFFFFC000  }
0x130: {  	_ =	swait.ge [sflag:s10], $0x4000  }
0x131: {  	[sflag:s10] =	ssyncset.done $0x0  }
0x132: {  	p1 =	sne.s32 s21, $0x1;
	s8 =	simm.s32 $0xE;
	[sflag:s10] =	ssyncadd.s32 $0xFFFFC000  }
.Ltmp2:
0x133: {  	_ =	swait.ge [sflag:s8], $0x4000;
	(pc) =	sbr.rel @p1 .LBB2_2-.Ltmp2, $4  }
0x134: {  	[sflag:s8] =	ssyncset.done $0x0  }
0x135: {  	[sflag:s8] =	ssyncadd.s32 $0xFFFFC000  }
0x136: {  	_ =	swait.ge [sflag:s6], $0x4000  }
0x137: {  	s21 =	sadd.s32 $0xFFFFFFFF, s21;
	s22 =	rddreg [dreg:$0x9];
	[sflag:s6] =	ssyncset.done $0x0  }
.LBB2_3:
0x138: {  	[sflag:s6] =	ssyncadd.s32 @p0 $0xFFFFC000  }
0x139: {  	[tilespmem:s2], [sflag:$0xF] =	stream.linear.gather [hbm4b:s22+s2], $0x80, $0x38;
	[tilespmem:$0x1C600] =	vst v63  }
0x13a: {  	s21 =	rddreg [dreg:$0xa]  }
0x13b: {  	[tilespmem:s30], [sflag:$0xF] =	stream.linear.gather [hbm4b:s21+s2], $0x80, $0x38;
	[tilespmem:$0x1C600] =	vst v63  }
0x13c: {  	s22 =	rddreg [dreg:$0xb]  }
0x13d: {  	[tilespmem:s23], [sflag:$0xF] =	stream.linear.gather [hbm4b:s22+s2], $0x80, $0x38;
	[tilespmem:$0x1C600] =	vst v63  }
0x13e: {  	s8 =	rddreg [dreg:$0xc]  }
0x13f: {  	[tilespmem:s31], [sflag:$0xF] =	stream.linear.gather [hbm4b:s8+s2], $0x80, $0x38;
	[tilespmem:$0x1C600] =	vst v63  }
0x140: {  	s22 =	rddreg [dreg:$0xd];
	s8 =	simm.s32 $0x100  }
0x141: {  	[tilespmem:s8], [sflag:$0xF] =	stream.linear.gather [hbm4b:s22+s2], $0x80, $0x38;
	[tilespmem:$0x1C600] =	vst v63  }
0x142: {  	s21 =	rddreg [dreg:$0xe]  }
0x143: {  	[tilespmem:s1], [sflag:$0xF] =	stream.linear.gather [hbm4b:s21+s2], $0x80, $0x38;
	[tilespmem:$0x1C600] =	vst v63  }
0x144: {  	s22 =	rddreg [dreg:$0xf];
	s8 =	simm.s32 $0x180  }
0x145: {  	[tilespmem:s8], [sflag:$0xF] =	stream.linear.gather [hbm4b:s22+s2], $0x80, $0x38;
	[tilespmem:$0x1C600] =	vst v63  }
0x146: {  	s21 =	rddreg [dreg:$0x10]  }
0x147: {  	[tilespmem:s26], [sflag:$0xF] =	stream.linear.gather [hbm4b:s21+s2], $0x80, $0x38;
	[tilespmem:$0x1C600] =	vst v63  }
0x148: {  	_ =	swait.ge [sflag:s7], $0x80  }
0x149: {  	[sflag:s7] =	ssyncset.done $0x0  }
0x14a: {  	[sflag:s7] =	ssyncadd.s32 $0xFFFFFF80  }
0x14b: {  	_ =	swait.ge [sflag:s7], $0x80  }
0x14c: {  	[sflag:s7] =	ssyncset.done $0x0  }
0x14d: {  	[sflag:s7] =	ssyncadd.s32 $0xFFFFFF80  }
0x14e: {  	_ =	swait.ge [sflag:s7], $0x80  }
0x14f: {  	[sflag:s7] =	ssyncset.done $0x0  }
0x150: {  	[sflag:s7] =	ssyncadd.s32 $0xFFFFFF80  }
0x151: {  	_ =	swait.ge [sflag:s7], $0x80  }
0x152: {  	[sflag:s7] =	ssyncset.done $0x0  }
0x153: {  	[sflag:s7] =	ssyncadd.s32 $0xFFFFFF80  }
0x154: {  	_ =	swait.ge [sflag:s7], $0x80  }
0x155: {  	[sflag:s7] =	ssyncset.done $0x0  }
0x156: {  	[sflag:s7] =	ssyncadd.s32 $0xFFFFFF80  }
0x157: {  	_ =	swait.ge [sflag:s7], $0x80  }
0x158: {  	[sflag:s7] =	ssyncset.done $0x0  }
0x159: {  	[sflag:s7] =	ssyncadd.s32 $0xFFFFFF80  }
0x15a: {  	_ =	swait.ge [sflag:s7], $0x80  }
0x15b: {  	[sflag:s7] =	ssyncset.done $0x0  }
0x15c: {  	[sflag:s7] =	ssyncadd.s32 $0xFFFFFF80  }
0x15d: {  	_ =	swait.ge [sflag:s7], $0x80  }
0x15e: {  	[sflag:s7] =	ssyncset.done $0x0  }
0x15f: {  	[sflag:s7] =	ssyncadd.s32 $0xFFFFFF80  }
0x160: {  	[tilespmem:s11], [sflag:$0x1] =	stream.indirect.gather [hbm4b:s5+s23], $0x80, s2, s23, $0xb8;
	[tilespmem:$0x1C600] =	vst v63  }
0x161: {  	_ = 	snop  }
0x162: {  	[tilespmem:s19], [sflag:$0x2] =	stream.indirect.gather [hbm4b:s5+s23], $0x80, s23, s23, $0xb8;
	[tilespmem:$0x1C600] =	vst v63  }
0x163: {  	s22 =	simm.s32 $0x100  }
0x164: {  	[tilespmem:s20], [sflag:$0x3] =	stream.indirect.gather [hbm4b:s5+s23], $0x80, s22, s23, $0xb8;
	[tilespmem:$0x1C600] =	vst v63  }
0x165: {  	_ = 	snop  }
0x166: {  	[tilespmem:s25], [sflag:$0x4] =	stream.indirect.gather [hbm4b:s5+s23], $0x80, s8, s23, $0xb8;
	[tilespmem:$0x1C600] =	vst v63  }
0x167: {  	s25 =	simm.s32 $0x10400  }
0x168: {  	[tilespmem:s25], [sflag:$0x5] =	stream.indirect.gather [hbm4b:s3+s23], $0x80, s30, s23, $0xb8;
	[tilespmem:$0x1C600] =	vst v63  }
0x169: {  	s22 =	simm.s32 $0x14400  }
0x16a: {  	[tilespmem:s22], [sflag:$0x6] =	stream.indirect.gather [hbm4b:s3+s23], $0x80, s31, s23, $0xb8;
	[tilespmem:$0x1C600] =	vst v63  }
0x16b: {  	s21 =	simm.s32 $0x18400  }
0x16c: {  	[tilespmem:s21], [sflag:$0x7] =	stream.indirect.gather [hbm4b:s3+s23], $0x80, s1, s23, $0xb8;
	[tilespmem:$0x1C600] =	vst v63  }
0x16d: {  	s19 =	simm.s32 $0x1C400  }
0x16e: {  	[tilespmem:s19], [sflag:$0xF] =	stream.indirect.gather [hbm4b:s4+s23], $0x1, s30, s23, $0xb8;
	[tilespmem:$0x1C600] =	vst v63  }
0x16f: {  	s5 =	rddreg [dreg:$0x1a]  }
0x170: {  	[tilespmem:s5], [sflag:$0xF] =	stream.indirect.gather [hbm4b:s4+s23], $0x1, s31, s23, $0xb8;
	[tilespmem:$0x1C600] =	vst v63  }
0x171: {  	s19 =	rddreg [dreg:$0x1b]  }
0x172: {  	[tilespmem:s19], [sflag:$0xF] =	stream.indirect.gather [hbm4b:s4+s23], $0x1, s1, s23, $0xb8;
	[tilespmem:$0x1C600] =	vst v63  }
0x173: {  	s31 =	rddreg [dreg:$0x1c]  }
0x174: {  	[tilespmem:s31], [sflag:$0xF] =	stream.indirect.gather [hbm4b:s4+s23], $0x1, s26, s23, $0xb8;
	[tilespmem:$0x1C600] =	vst v63  }
0x175: {  	_ =	swait.ge [sflag:s18], $0x4000  }
0x176: {  	[sflag:s18] =	ssyncset.done $0x0  }
0x177: {  	s4 =	rddreg [dreg:$0x11];
	[sflag:s18] =	ssyncadd.s32 $0xFFFFC000  }
0x178: {  	[hbm4b:s4+s2] =	stream.linear.scatter [tilespmem:s11], [sflag:$0x8], $0x4000, $0x38;
	[tilespmem:$0x1C600] =	vst v63  }
0x179: {  	_ =	swait.ge [sflag:s6], $0x4000  }
0x17a: {  	[sflag:s6] =	ssyncset.done $0x0  }
0x17b: {  	[sflag:s6] =	ssyncadd.s32 $0xFFFFC000  }
0x17c: {  	[tilespmem:s11], [sflag:$0x1] =	stream.indirect.gather [hbm4b:s3+s23], $0x80, s26, s23, $0xb8;
	[tilespmem:$0x1C600] =	vst v63  }
0x17d: {  	_ =	swait.ge [sflag:s17], $0x4000  }
0x17e: {  	[sflag:s17] =	ssyncset.done $0x0  }
0x17f: {  	s8 =	simm.s32 $0x4400;
	s5 =	rddreg [dreg:$0x12];
	[sflag:s17] =	ssyncadd.s32 $0xFFFFC000  }
0x180: {  	[hbm4b:s5+s2] =	stream.linear.scatter [tilespmem:s8], [sflag:$0x9], $0x4000, $0x38;
	[tilespmem:$0x1C600] =	vst v63  }
0x181: {  	_ =	swait.ge [sflag:s9], $0x4000  }
0x182: {  	[sflag:s9] =	ssyncset.done $0x0  }
0x183: {  	s20 =	simm.s32 $0x8400;
	s17 =	rddreg [dreg:$0x13];
	[sflag:s9] =	ssyncadd.s32 $0xFFFFC000  }
0x184: {  	[hbm4b:s17+s2] =	stream.linear.scatter [tilespmem:s20], [sflag:$0xA], $0x4000, $0x38;
	[tilespmem:$0x1C600] =	vst v63  }
0x185: {  	_ =	swait.ge [sflag:s0], $0x4000  }
0x186: {  	[sflag:s0] =	ssyncset.done $0x0  }
0x187: {  	s20 =	simm.s32 $0xC400;
	s19 =	rddreg [dreg:$0x14];
	[sflag:s0] =	ssyncadd.s32 $0xFFFFC000  }
0x188: {  	[hbm4b:s19+s2] =	stream.linear.scatter [tilespmem:s20], [sflag:$0xB], $0x4000, $0x38;
	[tilespmem:$0x1C600] =	vst v63  }
0x189: {  	_ =	swait.ge [sflag:s29], $0x4000  }
0x18a: {  	[sflag:s29] =	ssyncset.done $0x0  }
0x18b: {  	s23 =	rddreg [dreg:$0x15];
	[sflag:s29] =	ssyncadd.s32 $0xFFFFC000  }
0x18c: {  	[hbm4b:s23+s2] =	stream.linear.scatter [tilespmem:s25], [sflag:$0xC], $0x4000, $0x38;
	[tilespmem:$0x1C600] =	vst v63  }
0x18d: {  	_ =	swait.ge [sflag:s28], $0x4000  }
0x18e: {  	[sflag:s28] =	ssyncset.done $0x0  }
0x18f: {  	s25 =	rddreg [dreg:$0x16];
	[sflag:s28] =	ssyncadd.s32 $0xFFFFC000  }
0x190: {  	[hbm4b:s25+s2] =	stream.linear.scatter [tilespmem:s22], [sflag:$0xD], $0x4000, $0x38;
	[tilespmem:$0x1C600] =	vst v63  }
0x191: {  	_ =	swait.ge [sflag:s24], $0x4000  }
0x192: {  	[sflag:s24] =	ssyncset.done $0x0  }
0x193: {  	s26 =	rddreg [dreg:$0x17];
	[sflag:s24] =	ssyncadd.s32 $0xFFFFC000  }
0x194: {  	[hbm4b:s26+s2] =	stream.linear.scatter [tilespmem:s21], [sflag:$0xE], $0x4000, $0x38;
	[tilespmem:$0x1C600] =	vst v63  }
0x195: {  	_ =	swait.ge [sflag:s18], $0x4000  }
0x196: {  	[sflag:s18] =	ssyncset.done $0x0  }
0x197: {  	s28 =	rddreg [dreg:$0x18];
	[sflag:s18] =	ssyncadd.s32 $0xFFFFC000  }
0x198: {  	[hbm4b:s28+s2] =	stream.linear.scatter [tilespmem:s11], [sflag:$0x8], $0x4000, $0x38;
	[tilespmem:$0x1C600] =	vst v63  }
0x199: {  	_ =	swait.ge [sflag:s7], $0x80  }
0x19a: {  	[sflag:s7] =	ssyncset.done $0x0  }
0x19b: {  	[sflag:s7] =	ssyncadd.s32 $0xFFFFFF80  }
0x19c: {  	_ =	swait.ge [sflag:s7], $0x80  }
0x19d: {  	[sflag:s7] =	ssyncset.done $0x0  }
0x19e: {  	[sflag:s7] =	ssyncadd.s32 $0xFFFFFF80  }
0x19f: {  	_ =	swait.ge [sflag:s7], $0x80  }
0x1a0: {  	[sflag:s7] =	ssyncset.done $0x0  }
0x1a1: {  	[sflag:s7] =	ssyncadd.s32 $0xFFFFFF80  }
0x1a2: {  	_ =	swait.ge [sflag:s7], $0x80  }
0x1a3: {  	[sflag:s7] =	ssyncset.done $0x0  }
0x1a4: {  	s30 =	simm.s32 $0x1C400;
	s29 =	rddreg [dreg:$0x19];
	[sflag:s7] =	ssyncadd.s32 $0xFFFFFF80  }
0x1a5: {  	[hbm4b:s29+s2] =	stream.linear.scatter [tilespmem:s30], [sflag:$0x10], $0x200, $0x38;
	[tilespmem:$0x1C600] =	vst v63  }
0x1a6: {  	_ =	swait.ge [sflag:s16], $0x200  }
0x1a7: {  	[sflag:s16] =	ssyncset.done $0x0  }
0x1a8: {  	[sflag:s16] =	ssyncadd.s32 $0xFFFFFE00  }
0x1a9: {  	_ =	swait.ge [sflag:s15], $0x4000  }
0x1aa: {  	[sflag:s15] =	ssyncset.done $0x0  }
0x1ab: {  	[sflag:s15] =	ssyncadd.s32 $0xFFFFC000  }
0x1ac: {  	_ =	swait.ge [sflag:s14], $0x4000  }
0x1ad: {  	[sflag:s14] =	ssyncset.done $0x0  }
0x1ae: {  	[sflag:s14] =	ssyncadd.s32 $0xFFFFC000  }
0x1af: {  	_ =	swait.ge [sflag:s13], $0x4000  }
0x1b0: {  	[sflag:s13] =	ssyncset.done $0x0  }
0x1b1: {  	[sflag:s13] =	ssyncadd.s32 $0xFFFFC000  }
0x1b2: {  	_ =	swait.ge [sflag:s12], $0x4000  }
0x1b3: {  	[sflag:s12] =	ssyncset.done $0x0  }
0x1b4: {  	[sflag:s12] =	ssyncadd.s32 $0xFFFFC000  }
0x1b5: {  	_ =	swait.ge [sflag:s10], $0x4000  }
0x1b6: {  	[sflag:s10] =	ssyncset.done $0x0  }
0x1b7: {  	s30 =	simm.s32 $0xE;
	[sflag:s10] =	ssyncadd.s32 $0xFFFFC000  }
0x1b8: {  	_ =	swait.ge [sflag:s30], $0x4000  }
0x1b9: {  	[sflag:s30] =	ssyncset.done $0x0  }
0x1ba: {  	[sflag:s30] =	ssyncadd.s32 $0xFFFFC000  }
0x1bb: {  	_ =	swait.ge [sflag:s6], $0x4000  }
0x1bc: {  	[sflag:s6] =	ssyncset.done $0x0  }
0x1bd: {  	[sflag:s6] =	ssyncadd.s32 $0xFFFFC000  }
0x1be: {  	_ =	sfence.sel $0x180000  }
0x1bf: {  	[bflag:$0x0] =	sbarrier.arrive $0xFFFF  }
0x1c0: {  	_ =	strace $0x90000047  }
0x1c1: {  	s31 =	stileid.u32;
	[bflag:$0x2] =	sbarrier.arrive $0xFFFF  }
0x1c2: {  	p0 =	sne.s32 s31, $0x0;
	s0 =	rddreg [dreg:$0x8]  }
0x1c3: {  	s0 =	sadd.s32 @!p0 $0x100000, s0  }
0x1c4: {  	[sflag:s0] =	ssyncadd.tile.s32 @!p0 $0x1;
	_ =	shalt  }
.Lfunc_end2:
_tile_overlayer_lowered:
.L_overlay_start_2:
0x1c5: {  	(tag) =	ssettag $0x2  }
0x1c6: {  	s0 =	rddreg [dreg:$0x0];
	s2 =	stileid.u32  }
0x1c7: {  	s1 =	rddreg [dreg:$0x1];
	p0 =	sne.s32 s2, $0x0  }
0x1c8: {  	s3 =	rddreg [dreg:$0x2];
	[bflag:$0x3] =	sbarrier.arrive $0xFFFF;
	s2 =	simm.s32 @!p0 $0x1C10  }
0x1c9: {  	[timem:s3], [sflag:s2] =	dma.local @!p0 [hbm:s0], s1  }
0x1ca: {  	s0 =	simm.s32 @!p0 $0x10  }
0x1cb: {  	_ =	swait.ge @!p0 [sflag:s0], s1  }
0x1cc: {  	s1 =	ssub.s32 @!p0 $0x0, s1;
	[sflag:s0] =	ssyncset.done @!p0 $0x0  }
0x1cd: {  	[sflag:s0] =	ssyncadd.s32 @!p0 s1  }
0x1ce: {  	[bflag:$0x3] =	sbarrier.arrive $0xFFFF  }
0x1cf: {  	_ =	shalt  }

</sc_bundles>
